<compile_context>
chip_gen: v7x
topology: tpu7x:2x2x1
jax: 0.10.2.dev20260603
libtpu: 0.0.44.dev20260713+nightly
codegen_flags: <defaults>
</compile_context>

<pallas_src>
import functools

import jax
import jax.numpy as jnp
from jax import lax
from jax.experimental import pallas as pl
from jax.experimental.pallas import tpu as pltpu
from jax.experimental.pallas import tpu_sc as plsc

VOCAB = 1000000
EMB_DIM = 64
OUT_DIM = 64


_RBLK = 16384


def _relayout_body(tabt_ref, out_ref):
    tb = tabt_ref[...].astype(jnp.bfloat16)
    ti = pltpu.bitcast(tb, jnp.int32)
    t = ti.T
    q = _RBLK // 4
    for k in range(4):
        out_ref[:, k * 32:(k + 1) * 32] = t[k * q:(k + 1) * q]


_VPAD = ((VOCAB + _RBLK - 1) // _RBLK) * _RBLK


def _relayout_table(table):
    grid = _VPAD // _RBLK
    out = pl.pallas_call(
        _relayout_body,
        grid=(grid,),
        in_specs=[pl.BlockSpec((EMB_DIM, _RBLK), lambda i: (0, i))],
        out_specs=pl.BlockSpec((_RBLK // 4, 128), lambda i: (i, 0)),
        out_shape=jax.ShapeDtypeStruct((_VPAD // 4, 128), jnp.int32),
    )(table.T)
    return out.reshape(_VPAD, 32)



_IDXW = 128
_SUB = 4
_CHUNK = _IDXW * _SUB
_PBLK = 4096
_WIN = 28672


def _make_gather(n_rows, nc, ns):
    nw = nc * ns
    assert n_rows % (nw * _CHUNK) == 0
    rows_per_w = n_rows // nw
    win_irows = _WIN // _IDXW
    n_chunks = rows_per_w // _CHUNK
    mesh = plsc.VectorSubcoreMesh(core_axis_name="c", subcore_axis_name="s")

    @functools.partial(
        pl.kernel, mesh=mesh,
        out_type=jax.ShapeDtypeStruct((n_rows, 32), jnp.int32),
        scratch_types=[
            pltpu.VMEM((win_irows, _IDXW), jnp.int32),
            pltpu.VMEM((_SUB, _IDXW), jnp.int32),
            pltpu.VMEM((_CHUNK, 32), jnp.int32),
            pltpu.SemaphoreType.DMA,
        ],
        compiler_params=pltpu.CompilerParams(
            use_tc_tiling_on_sc=False, needs_layout_passes=False
        ),
    )
    def gather_kernel(table_hbm, idx_hbm, out_hbm, idx_v, perm_v, rows_v, sem):
        wid = lax.axis_index("s") * nc + lax.axis_index("c")
        base_row = wid * rows_per_w
        off = (wid & 3) * 1024
        win_start_irow = wid * (rows_per_w // _IDXW) - (wid & 3) * 8
        pltpu.sync_copy(idx_hbm.at[pl.ds(win_start_irow, win_irows)], idx_v)
        lanes = lax.iota(jnp.int32, 16)
        perm16 = (lanes & 3) * (_PBLK // 4) + (lanes >> 2)

        def chunk_body(g, carry):
            for j in range(_SUB):
                for v in range(_IDXW // 16):
                    bs = off + g * _CHUNK + j * _IDXW + v * 16
                    src = (bs - (bs & (_PBLK - 1))) + ((bs & (_PBLK - 1)) >> 2)
                    src = perm16 + src
                    vals = plsc.load_gather(idx_v, [src >> 7, src & 127])
                    vals = (
                        ((vals >> 14) << 14)
                        + ((vals & 4095) << 2)
                        + ((vals >> 12) & 3)
                    )
                    perm_v[j, pl.ds(v * 16, 16)] = vals
            cps = [
                pltpu.async_copy(
                    table_hbm.at[perm_v.at[j]],
                    rows_v.at[pl.ds(j * _IDXW, _IDXW)],
                    sem,
                )
                for j in range(_SUB)
            ]
            for cp in cps:
                cp.wait()
            pltpu.sync_copy(
                rows_v, out_hbm.at[pl.ds(base_row + g * _CHUNK, _CHUNK)]
            )
            return carry

        lax.fori_loop(0, n_chunks, chunk_body, 0)

    return gather_kernel



_BBLK = _PBLK
_QUAD = _BBLK // 4


def _linear_body(emb_ref, w_ref, b_ref, out_ref):
    quads_i = emb_ref[...].reshape(_QUAD, 128)
    embt = pltpu.bitcast(quads_i.T, jnp.bfloat16)
    for q in range(4):
        part = embt[q * EMB_DIM:(q + 1) * EMB_DIM, :]
        acc = lax.dot_general(
            w_ref[...], part,
            dimension_numbers=(((1,), (0,)), ((), ())),
            preferred_element_type=jnp.float32,
        )
        out_ref[0, :, q * _QUAD:(q + 1) * _QUAD] = jnp.maximum(
            acc + b_ref[...], 0.0
        )


def _linear_transposed(emb_flat, W, b, B, L):
    nb = B // _BBLK
    blk = _BBLK * 32
    return pl.pallas_call(
        _linear_body,
        grid=(L, nb),
        in_specs=[
            pl.BlockSpec((blk,), lambda l, j, nb=nb: (l * nb + j,)),
            pl.BlockSpec((OUT_DIM, EMB_DIM), lambda l, j: (0, 0)),
            pl.BlockSpec((OUT_DIM, 1), lambda l, j: (0, 0)),
        ],
        out_specs=pl.BlockSpec((1, OUT_DIM, _BBLK), lambda l, j: (l, 0, j)),
        out_shape=jax.ShapeDtypeStruct((L, OUT_DIM, B), jnp.float32),
    )(emb_flat, W.astype(jnp.bfloat16), b.reshape(OUT_DIM, 1))


def kernel(x, mask, table, W, b):
    del mask
    B, L = x.shape
    n_rows = B * L
    idx = x.T.reshape(n_rows // _IDXW, _IDXW)
    tab_r = _relayout_table(table)
    info = plsc.get_sparse_core_info()
    emb = _make_gather(n_rows, info.num_cores, info.num_subcores)(tab_r, idx)
    out_t = _linear_transposed(emb.reshape(-1), W, b, B, L)
    return jnp.transpose(out_t, (2, 0, 1))

# --- scband reference (transcript-rebuilt; emitter-appended) ---
"""Pipeline reference for scband-cate-encoder-52888227283446 (READ-ONLY COPY).

The authoritative reference and input builder live on the scoring server;
editing this copy changes nothing except your own understanding.
"""

import jax, jax.numpy as jnp
import numpy as np

VOCAB = 1000000
EMB_DIM = 64
OUT_DIM = 64
B = 16384
L = 50

def setup_inputs(seed: int = 0) -> dict:
    key = jax.random.key(seed)
    k1, k2, k3, k4 = jax.random.split(key, 4)
    x = jax.random.randint(k1, (B, L), 0, VOCAB, dtype=jnp.int64 if jax.config.jax_enable_x64 else jnp.int32).astype(jnp.int32)
    mask = jnp.ones((B, L), dtype=jnp.bool_)
    table = jax.random.normal(k2, (VOCAB, EMB_DIM), dtype=jnp.float32) * 0.02
    W = jax.random.normal(k3, (OUT_DIM, EMB_DIM), dtype=jnp.float32) * (1.0 / np.sqrt(EMB_DIM))
    b = jax.random.normal(k4, (OUT_DIM,), dtype=jnp.float32) * 0.01
    return {"x": x, "mask": mask, "table": table, "W": W, "b": b}

def reference(x, mask, table, W, b):
    # x_emb = self.cate_embedding(x)
    x_emb = jnp.take(table, x, axis=0)
    # dropout is identity in eval mode
    # x_rep = self.fc(x_emb)  (torch Linear: y = x @ W.T + b, W is [out, in])
    x_rep = jnp.dot(x_emb, W.T) + b
    # F.relu
    x_rep = jax.nn.relu(x_rep)
    return x_rep

if __name__ == "__main__":
    import jax
    _d = setup_inputs()
    print(jax.jit(kernel)(*tuple(_d.values())))

</pallas_src>

<mosaic_0001>
#map = affine_map<(d0, d1) -> (0, 0)>
module attributes {stable_mosaic.version = 14 : i64} {
  func.func @gather_kernel(%arg0: i32, %arg1: i32, %arg2: memref<1015808x32xi32, #tpu.memory_space<hbm>>, %arg3: memref<6400x128xi32, #tpu.memory_space<hbm>>, %arg4: memref<819200x32xi32, #tpu.memory_space<hbm>>, %arg5: memref<224x128xi32, #tpu.memory_space<vmem>>, %arg6: memref<4x128xi32, #tpu.memory_space<vmem>>, %arg7: memref<512x32xi32, #tpu.memory_space<vmem>>, %arg8: memref<!tpu.dma_semaphore, #tpu.memory_space<semaphore_mem>>) attributes {dimension_semantics = [#tpu.dimension_semantics<core_parallel>, #tpu.dimension_semantics<subcore_parallel>], iteration_bounds = array<i64: 2, 16>, scalar_prefetch = 0 : i64, scratch_operands = 4 : i64, tpu.core_type = #tpu.core_type<sc_vector_subcore>, window_params = [{transform_indices = #map}, {transform_indices = #map}, {transform_indices = #map}]} {
    %mul3A = arith.constant 2 : i32
    %mul3A_0 = arith.muli %arg1, %mul3A : i32
    %add3A = arith.addi %mul3A_0, %arg0 : i32
    %mul3A_1 = arith.constant 25600 : i32
    %mul3A_2 = arith.muli %add3A, %mul3A_1 : i32
    %and3A = arith.constant 3 : i32
    %and3A_3 = arith.andi %add3A, %and3A : i32
    %mul3A_4 = arith.constant 1024 : i32
    %mul3A_5 = arith.muli %and3A_3, %mul3A_4 : i32
    %mul3A_6 = arith.constant 200 : i32
    %mul3A_7 = arith.muli %add3A, %mul3A_6 : i32
    %and3A_8 = arith.constant 3 : i32
    %and3A_9 = arith.andi %add3A, %and3A_8 : i32
    %mul3A_10 = arith.constant 8 : i32
    %mul3A_11 = arith.muli %and3A_9, %mul3A_10 : i32
    %sub3A = arith.subi %mul3A_7, %mul3A_11 : i32
    "tpu.region"() ({
      %run_scoped3A = tpu.sem_alloc : memref<!tpu.dma_semaphore, #tpu.memory_space<semaphore_mem>>
      %dma_start3A = arith.constant 0 : i32
      %dma_start3A_26 = tpu.memref_slice %arg3[%sub3A, %dma_start3A] : memref<6400x128xi32, #tpu.memory_space<hbm>> -> memref<224x128xi32, #tpu.memory_space<hbm>>
      %dma_start3A_27 = arith.constant 0 : i32
      %dma_start3A_28 = tpu.memref_slice %arg3[%sub3A, %dma_start3A_27] : memref<6400x128xi32, #tpu.memory_space<hbm>> -> memref<224x128xi32, #tpu.memory_space<hbm>>
      tpu.enqueue_dma source(%dma_start3A_28 : memref<224x128xi32, #tpu.memory_space<hbm>>) target(%arg5 : memref<224x128xi32, #tpu.memory_space<vmem>>) target_semaphore(%run_scoped3A : memref<!tpu.dma_semaphore, #tpu.memory_space<semaphore_mem>>)
      %dma_wait3A = arith.constant 0 : i32
      %dma_wait3A_29 = tpu.memref_slice %arg3[%sub3A, %dma_wait3A] : memref<6400x128xi32, #tpu.memory_space<hbm>> -> memref<224x128xi32, #tpu.memory_space<hbm>>
      %dma_wait3A_30 = arith.constant 0 : i32
      %dma_wait3A_31 = tpu.memref_slice %arg3[%sub3A, %dma_wait3A_30] : memref<6400x128xi32, #tpu.memory_space<hbm>> -> memref<224x128xi32, #tpu.memory_space<hbm>>
      tpu.wait_dma2 semaphore(%run_scoped3A : memref<!tpu.dma_semaphore, #tpu.memory_space<semaphore_mem>>) src(%dma_wait3A_31 : memref<224x128xi32, #tpu.memory_space<hbm>>) dst(%arg5 : memref<224x128xi32, #tpu.memory_space<vmem>>)
      tpu.yield
    }) : () -> ()
    %iota3A = tpu.iota {dimensions = array<i32: 0>} : vector<16xi32>
    %and3A_12 = arith.constant 3 : i32
    %and3A_13 = vector.broadcast %and3A_12 : i32 to vector<16xi32>
    %and3A_14 = arith.andi %iota3A, %and3A_13 : vector<16xi32>
    %mul3A_15 = arith.constant 1024 : i32
    %mul3A_16 = vector.broadcast %mul3A_15 : i32 to vector<16xi32>
    %mul3A_17 = arith.muli %and3A_14, %mul3A_16 : vector<16xi32>
    %shift_right_arithmetic3A = arith.constant 2 : i32
    %shift_right_arithmetic3A_18 = vector.broadcast %shift_right_arithmetic3A : i32 to vector<16xi32>
    %shift_right_arithmetic3A_19 = arith.shrsi %iota3A, %shift_right_arithmetic3A_18 : vector<16xi32>
    %add3A_20 = arith.addi %mul3A_17, %shift_right_arithmetic3A_19 : vector<16xi32>
    %scan3A = arith.constant 0 : i32
    %scan3A_21 = arith.constant 0 : i32
    %scan3A_22 = arith.constant 50 : i32
    %scan3A_23 = arith.addi %scan3A_21, %scan3A_22 : i32
    %scan3A_24 = arith.constant 1 : i32
    scf.for %scan3A_26 = %scan3A_21 to %scan3A_23 step %scan3A_24  : i32 {
      %mul3A_27 = arith.constant 512 : i32
      %mul3A_28 = arith.muli %scan3A_26, %mul3A_27 : i32
      %add3A_29 = arith.addi %mul3A_5, %mul3A_28 : i32
      %add3A_30 = arith.constant 0 : i32
      %add3A_31 = arith.addi %add3A_29, %add3A_30 : i32
      %add3A_32 = arith.constant 0 : i32
      %add3A_33 = arith.addi %add3A_31, %add3A_32 : i32
      %and3A_34 = arith.constant 4095 : i32
      %and3A_35 = arith.andi %add3A_33, %and3A_34 : i32
      %sub3A_36 = arith.subi %add3A_33, %and3A_35 : i32
      %and3A_37 = arith.constant 4095 : i32
      %and3A_38 = arith.andi %add3A_33, %and3A_37 : i32
      %shift_right_arithmetic3A_39 = arith.constant 2 : i32
      %shift_right_arithmetic3A_40 = arith.shrsi %and3A_38, %shift_right_arithmetic3A_39 : i32
      %add3A_41 = arith.addi %sub3A_36, %shift_right_arithmetic3A_40 : i32
      %add3A_42 = vector.broadcast %add3A_41 : i32 to vector<16xi32>
      %add3A_43 = arith.addi %add3A_20, %add3A_42 : vector<16xi32>
      %shift_right_arithmetic3A_44 = arith.constant 7 : i32
      %shift_right_arithmetic3A_45 = vector.broadcast %shift_right_arithmetic3A_44 : i32 to vector<16xi32>
      %shift_right_arithmetic3A_46 = arith.shrsi %add3A_43, %shift_right_arithmetic3A_45 : vector<16xi32>
      %and3A_47 = arith.constant 127 : i32
      %and3A_48 = vector.broadcast %and3A_47 : i32 to vector<16xi32>
      %and3A_49 = arith.andi %add3A_43, %and3A_48 : vector<16xi32>
      %gather3A = tpu.vector_load_idx %arg5[%shift_right_arithmetic3A_46, %and3A_49] : memref<224x128xi32, #tpu.memory_space<vmem>>[vector<16xi32>, vector<16xi32>], vector<16xi32>,
      %shift_right_arithmetic3A_50 = arith.constant 14 : i32
      %shift_right_arithmetic3A_51 = vector.broadcast %shift_right_arithmetic3A_50 : i32 to vector<16xi32>
      %shift_right_arithmetic3A_52 = arith.shrsi %gather3A, %shift_right_arithmetic3A_51 : vector<16xi32>
      %shift_left3A = arith.constant 14 : i32
      %shift_left3A_53 = vector.broadcast %shift_left3A : i32 to vector<16xi32>
      %shift_left3A_54 = arith.shli %shift_right_arithmetic3A_52, %shift_left3A_53 : vector<16xi32>
      %and3A_55 = arith.constant 4095 : i32
      %and3A_56 = vector.broadcast %and3A_55 : i32 to vector<16xi32>
      %and3A_57 = arith.andi %gather3A, %and3A_56 : vector<16xi32>
      %shift_left3A_58 = arith.constant 2 : i32
      %shift_left3A_59 = vector.broadcast %shift_left3A_58 : i32 to vector<16xi32>
      %shift_left3A_60 = arith.shli %and3A_57, %shift_left3A_59 : vector<16xi32>
      %add3A_61 = arith.addi %shift_left3A_54, %shift_left3A_60 : vector<16xi32>
      %shift_right_arithmetic3A_62 = arith.constant 12 : i32
      %shift_right_arithmetic3A_63 = vector.broadcast %shift_right_arithmetic3A_62 : i32 to vector<16xi32>
      %shift_right_arithmetic3A_64 = arith.shrsi %gather3A, %shift_right_arithmetic3A_63 : vector<16xi32>
      %and3A_65 = arith.constant 3 : i32
      %and3A_66 = vector.broadcast %and3A_65 : i32 to vector<16xi32>
      %and3A_67 = arith.andi %shift_right_arithmetic3A_64, %and3A_66 : vector<16xi32>
      %add3A_68 = arith.addi %add3A_61, %and3A_67 : vector<16xi32>
      %swap3A = arith.constant 0 : i32
      %swap3A_69 = arith.index_cast %swap3A : i32 to index
      %swap3A_70 = arith.constant 0 : index
      %swap3A_71 = tpu.vector_load %arg6[%swap3A_69, %swap3A_70] {strides = array<i32>} : memref<4x128xi32, #tpu.memory_space<vmem>>, vector<16xi32>,
      tpu.vector_store %arg6[%swap3A_69, %swap3A_70], %add3A_68 {strides = array<i32>} : memref<4x128xi32, #tpu.memory_space<vmem>>, vector<16xi32>,
      %mul3A_72 = arith.constant 512 : i32
      %mul3A_73 = arith.muli %scan3A_26, %mul3A_72 : i32
      %add3A_74 = arith.addi %mul3A_5, %mul3A_73 : i32
      %add3A_75 = arith.constant 0 : i32
      %add3A_76 = arith.addi %add3A_74, %add3A_75 : i32
      %add3A_77 = arith.constant 16 : i32
      %add3A_78 = arith.addi %add3A_76, %add3A_77 : i32
      %and3A_79 = arith.constant 4095 : i32
      %and3A_80 = arith.andi %add3A_78, %and3A_79 : i32
      %sub3A_81 = arith.subi %add3A_78, %and3A_80 : i32
      %and3A_82 = arith.constant 4095 : i32
      %and3A_83 = arith.andi %add3A_78, %and3A_82 : i32
      %shift_right_arithmetic3A_84 = arith.constant 2 : i32
      %shift_right_arithmetic3A_85 = arith.shrsi %and3A_83, %shift_right_arithmetic3A_84 : i32
      %add3A_86 = arith.addi %sub3A_81, %shift_right_arithmetic3A_85 : i32
      %add3A_87 = vector.broadcast %add3A_86 : i32 to vector<16xi32>
      %add3A_88 = arith.addi %add3A_20, %add3A_87 : vector<16xi32>
      %shift_right_arithmetic3A_89 = arith.constant 7 : i32
      %shift_right_arithmetic3A_90 = vector.broadcast %shift_right_arithmetic3A_89 : i32 to vector<16xi32>
      %shift_right_arithmetic3A_91 = arith.shrsi %add3A_88, %shift_right_arithmetic3A_90 : vector<16xi32>
      %and3A_92 = arith.constant 127 : i32
      %and3A_93 = vector.broadcast %and3A_92 : i32 to vector<16xi32>
      %and3A_94 = arith.andi %add3A_88, %and3A_93 : vector<16xi32>
      %gather3A_95 = tpu.vector_load_idx %arg5[%shift_right_arithmetic3A_91, %and3A_94] : memref<224x128xi32, #tpu.memory_space<vmem>>[vector<16xi32>, vector<16xi32>], vector<16xi32>,
      %shift_right_arithmetic3A_96 = arith.constant 14 : i32
      %shift_right_arithmetic3A_97 = vector.broadcast %shift_right_arithmetic3A_96 : i32 to vector<16xi32>
      %shift_right_arithmetic3A_98 = arith.shrsi %gather3A_95, %shift_right_arithmetic3A_97 : vector<16xi32>
      %shift_left3A_99 = arith.constant 14 : i32
      %shift_left3A_100 = vector.broadcast %shift_left3A_99 : i32 to vector<16xi32>
      %shift_left3A_101 = arith.shli %shift_right_arithmetic3A_98, %shift_left3A_100 : vector<16xi32>
      %and3A_102 = arith.constant 4095 : i32
      %and3A_103 = vector.broadcast %and3A_102 : i32 to vector<16xi32>
      %and3A_104 = arith.andi %gather3A_95, %and3A_103 : vector<16xi32>
      %shift_left3A_105 = arith.constant 2 : i32
      %shift_left3A_106 = vector.broadcast %shift_left3A_105 : i32 to vector<16xi32>
      %shift_left3A_107 = arith.shli %and3A_104, %shift_left3A_106 : vector<16xi32>
      %add3A_108 = arith.addi %shift_left3A_101, %shift_left3A_107 : vector<16xi32>
      %shift_right_arithmetic3A_109 = arith.constant 12 : i32
      %shift_right_arithmetic3A_110 = vector.broadcast %shift_right_arithmetic3A_109 : i32 to vector<16xi32>
      %shift_right_arithmetic3A_111 = arith.shrsi %gather3A_95, %shift_right_arithmetic3A_110 : vector<16xi32>
      %and3A_112 = arith.constant 3 : i32
      %and3A_113 = vector.broadcast %and3A_112 : i32 to vector<16xi32>
      %and3A_114 = arith.andi %shift_right_arithmetic3A_111, %and3A_113 : vector<16xi32>
      %add3A_115 = arith.addi %add3A_108, %and3A_114 : vector<16xi32>
      %swap3A_116 = arith.constant 0 : i32
      %swap3A_117 = arith.index_cast %swap3A_116 : i32 to index
      %swap3A_118 = arith.constant 16 : index
      %swap3A_119 = tpu.vector_load %arg6[%swap3A_117, %swap3A_118] {strides = array<i32>} : memref<4x128xi32, #tpu.memory_space<vmem>>, vector<16xi32>,
      tpu.vector_store %arg6[%swap3A_117, %swap3A_118], %add3A_115 {strides = array<i32>} : memref<4x128xi32, #tpu.memory_space<vmem>>, vector<16xi32>,
      %mul3A_120 = arith.constant 512 : i32
      %mul3A_121 = arith.muli %scan3A_26, %mul3A_120 : i32
      %add3A_122 = arith.addi %mul3A_5, %mul3A_121 : i32
      %add3A_123 = arith.constant 0 : i32
      %add3A_124 = arith.addi %add3A_122, %add3A_123 : i32
      %add3A_125 = arith.constant 32 : i32
      %add3A_126 = arith.addi %add3A_124, %add3A_125 : i32
      %and3A_127 = arith.constant 4095 : i32
      %and3A_128 = arith.andi %add3A_126, %and3A_127 : i32
      %sub3A_129 = arith.subi %add3A_126, %and3A_128 : i32
      %and3A_130 = arith.constant 4095 : i32
      %and3A_131 = arith.andi %add3A_126, %and3A_130 : i32
      %shift_right_arithmetic3A_132 = arith.constant 2 : i32
      %shift_right_arithmetic3A_133 = arith.shrsi %and3A_131, %shift_right_arithmetic3A_132 : i32
      %add3A_134 = arith.addi %sub3A_129, %shift_right_arithmetic3A_133 : i32
      %add3A_135 = vector.broadcast %add3A_134 : i32 to vector<16xi32>
      %add3A_136 = arith.addi %add3A_20, %add3A_135 : vector<16xi32>
      %shift_right_arithmetic3A_137 = arith.constant 7 : i32
      %shift_right_arithmetic3A_138 = vector.broadcast %shift_right_arithmetic3A_137 : i32 to vector<16xi32>
      %shift_right_arithmetic3A_139 = arith.shrsi %add3A_136, %shift_right_arithmetic3A_138 : vector<16xi32>
      %and3A_140 = arith.constant 127 : i32
      %and3A_141 = vector.broadcast %and3A_140 : i32 to vector<16xi32>
      %and3A_142 = arith.andi %add3A_136, %and3A_141 : vector<16xi32>
      %gather3A_143 = tpu.vector_load_idx %arg5[%shift_right_arithmetic3A_139, %and3A_142] : memref<224x128xi32, #tpu.memory_space<vmem>>[vector<16xi32>, vector<16xi32>], vector<16xi32>,
      %shift_right_arithmetic3A_144 = arith.constant 14 : i32
      %shift_right_arithmetic3A_145 = vector.broadcast %shift_right_arithmetic3A_144 : i32 to vector<16xi32>
      %shift_right_arithmetic3A_146 = arith.shrsi %gather3A_143, %shift_right_arithmetic3A_145 : vector<16xi32>
      %shift_left3A_147 = arith.constant 14 : i32
      %shift_left3A_148 = vector.broadcast %shift_left3A_147 : i32 to vector<16xi32>
      %shift_left3A_149 = arith.shli %shift_right_arithmetic3A_146, %shift_left3A_148 : vector<16xi32>
      %and3A_150 = arith.constant 4095 : i32
      %and3A_151 = vector.broadcast %and3A_150 : i32 to vector<16xi32>
      %and3A_152 = arith.andi %gather3A_143, %and3A_151 : vector<16xi32>
      %shift_left3A_153 = arith.constant 2 : i32
      %shift_left3A_154 = vector.broadcast %shift_left3A_153 : i32 to vector<16xi32>
      %shift_left3A_155 = arith.shli %and3A_152, %shift_left3A_154 : vector<16xi32>
      %add3A_156 = arith.addi %shift_left3A_149, %shift_left3A_155 : vector<16xi32>
      %shift_right_arithmetic3A_157 = arith.constant 12 : i32
      %shift_right_arithmetic3A_158 = vector.broadcast %shift_right_arithmetic3A_157 : i32 to vector<16xi32>
      %shift_right_arithmetic3A_159 = arith.shrsi %gather3A_143, %shift_right_arithmetic3A_158 : vector<16xi32>
      %and3A_160 = arith.constant 3 : i32
      %and3A_161 = vector.broadcast %and3A_160 : i32 to vector<16xi32>
      %and3A_162 = arith.andi %shift_right_arithmetic3A_159, %and3A_161 : vector<16xi32>
      %add3A_163 = arith.addi %add3A_156, %and3A_162 : vector<16xi32>
      %swap3A_164 = arith.constant 0 : i32
      %swap3A_165 = arith.index_cast %swap3A_164 : i32 to index
      %swap3A_166 = arith.constant 32 : index
      %swap3A_167 = tpu.vector_load %arg6[%swap3A_165, %swap3A_166] {strides = array<i32>} : memref<4x128xi32, #tpu.memory_space<vmem>>, vector<16xi32>,
      tpu.vector_store %arg6[%swap3A_165, %swap3A_166], %add3A_163 {strides = array<i32>} : memref<4x128xi32, #tpu.memory_space<vmem>>, vector<16xi32>,
      %mul3A_168 = arith.constant 512 : i32
      %mul3A_169 = arith.muli %scan3A_26, %mul3A_168 : i32
      %add3A_170 = arith.addi %mul3A_5, %mul3A_169 : i32
      %add3A_171 = arith.constant 0 : i32
      %add3A_172 = arith.addi %add3A_170, %add3A_171 : i32
      %add3A_173 = arith.constant 48 : i32
      %add3A_174 = arith.addi %add3A_172, %add3A_173 : i32
      %and3A_175 = arith.constant 4095 : i32
      %and3A_176 = arith.andi %add3A_174, %and3A_175 : i32
      %sub3A_177 = arith.subi %add3A_174, %and3A_176 : i32
      %and3A_178 = arith.constant 4095 : i32
      %and3A_179 = arith.andi %add3A_174, %and3A_178 : i32
      %shift_right_arithmetic3A_180 = arith.constant 2 : i32
      %shift_right_arithmetic3A_181 = arith.shrsi %and3A_179, %shift_right_arithmetic3A_180 : i32
      %add3A_182 = arith.addi %sub3A_177, %shift_right_arithmetic3A_181 : i32
      %add3A_183 = vector.broadcast %add3A_182 : i32 to vector<16xi32>
      %add3A_184 = arith.addi %add3A_20, %add3A_183 : vector<16xi32>
      %shift_right_arithmetic3A_185 = arith.constant 7 : i32
      %shift_right_arithmetic3A_186 = vector.broadcast %shift_right_arithmetic3A_185 : i32 to vector<16xi32>
      %shift_right_arithmetic3A_187 = arith.shrsi %add3A_184, %shift_right_arithmetic3A_186 : vector<16xi32>
      %and3A_188 = arith.constant 127 : i32
      %and3A_189 = vector.broadcast %and3A_188 : i32 to vector<16xi32>
      %and3A_190 = arith.andi %add3A_184, %and3A_189 : vector<16xi32>
      %gather3A_191 = tpu.vector_load_idx %arg5[%shift_right_arithmetic3A_187, %and3A_190] : memref<224x128xi32, #tpu.memory_space<vmem>>[vector<16xi32>, vector<16xi32>], vector<16xi32>,
      %shift_right_arithmetic3A_192 = arith.constant 14 : i32
      %shift_right_arithmetic3A_193 = vector.broadcast %shift_right_arithmetic3A_192 : i32 to vector<16xi32>
      %shift_right_arithmetic3A_194 = arith.shrsi %gather3A_191, %shift_right_arithmetic3A_193 : vector<16xi32>
      %shift_left3A_195 = arith.constant 14 : i32
      %shift_left3A_196 = vector.broadcast %shift_left3A_195 : i32 to vector<16xi32>
      %shift_left3A_197 = arith.shli %shift_right_arithmetic3A_194, %shift_left3A_196 : vector<16xi32>
      %and3A_198 = arith.constant 4095 : i32
      %and3A_199 = vector.broadcast %and3A_198 : i32 to vector<16xi32>
      %and3A_200 = arith.andi %gather3A_191, %and3A_199 : vector<16xi32>
      %shift_left3A_201 = arith.constant 2 : i32
      %shift_left3A_202 = vector.broadcast %shift_left3A_201 : i32 to vector<16xi32>
      %shift_left3A_203 = arith.shli %and3A_200, %shift_left3A_202 : vector<16xi32>
      %add3A_204 = arith.addi %shift_left3A_197, %shift_left3A_203 : vector<16xi32>
      %shift_right_arithmetic3A_205 = arith.constant 12 : i32
      %shift_right_arithmetic3A_206 = vector.broadcast %shift_right_arithmetic3A_205 : i32 to vector<16xi32>
      %shift_right_arithmetic3A_207 = arith.shrsi %gather3A_191, %shift_right_arithmetic3A_206 : vector<16xi32>
      %and3A_208 = arith.constant 3 : i32
      %and3A_209 = vector.broadcast %and3A_208 : i32 to vector<16xi32>
      %and3A_210 = arith.andi %shift_right_arithmetic3A_207, %and3A_209 : vector<16xi32>
      %add3A_211 = arith.addi %add3A_204, %and3A_210 : vector<16xi32>
      %swap3A_212 = arith.constant 0 : i32
      %swap3A_213 = arith.index_cast %swap3A_212 : i32 to index
      %swap3A_214 = arith.constant 48 : index
      %swap3A_215 = tpu.vector_load %arg6[%swap3A_213, %swap3A_214] {strides = array<i32>} : memref<4x128xi32, #tpu.memory_space<vmem>>, vector<16xi32>,
      tpu.vector_store %arg6[%swap3A_213, %swap3A_214], %add3A_211 {strides = array<i32>} : memref<4x128xi32, #tpu.memory_space<vmem>>, vector<16xi32>,
      %mul3A_216 = arith.constant 512 : i32
      %mul3A_217 = arith.muli %scan3A_26, %mul3A_216 : i32
      %add3A_218 = arith.addi %mul3A_5, %mul3A_217 : i32
      %add3A_219 = arith.constant 0 : i32
      %add3A_220 = arith.addi %add3A_218, %add3A_219 : i32
      %add3A_221 = arith.constant 64 : i32
      %add3A_222 = arith.addi %add3A_220, %add3A_221 : i32
      %and3A_223 = arith.constant 4095 : i32
      %and3A_224 = arith.andi %add3A_222, %and3A_223 : i32
      %sub3A_225 = arith.subi %add3A_222, %and3A_224 : i32
      %and3A_226 = arith.constant 4095 : i32
      %and3A_227 = arith.andi %add3A_222, %and3A_226 : i32
      %shift_right_arithmetic3A_228 = arith.constant 2 : i32
      %shift_right_arithmetic3A_229 = arith.shrsi %and3A_227, %shift_right_arithmetic3A_228 : i32
      %add3A_230 = arith.addi %sub3A_225, %shift_right_arithmetic3A_229 : i32
      %add3A_231 = vector.broadcast %add3A_230 : i32 to vector<16xi32>
      %add3A_232 = arith.addi %add3A_20, %add3A_231 : vector<16xi32>
      %shift_right_arithmetic3A_233 = arith.constant 7 : i32
      %shift_right_arithmetic3A_234 = vector.broadcast %shift_right_arithmetic3A_233 : i32 to vector<16xi32>
      %shift_right_arithmetic3A_235 = arith.shrsi %add3A_232, %shift_right_arithmetic3A_234 : vector<16xi32>
      %and3A_236 = arith.constant 127 : i32
      %and3A_237 = vector.broadcast %and3A_236 : i32 to vector<16xi32>
      %and3A_238 = arith.andi %add3A_232, %and3A_237 : vector<16xi32>
      %gather3A_239 = tpu.vector_load_idx %arg5[%shift_right_arithmetic3A_235, %and3A_238] : memref<224x128xi32, #tpu.memory_space<vmem>>[vector<16xi32>, vector<16xi32>], vector<16xi32>,
      %shift_right_arithmetic3A_240 = arith.constant 14 : i32
      %shift_right_arithmetic3A_241 = vector.broadcast %shift_right_arithmetic3A_240 : i32 to vector<16xi32>
      %shift_right_arithmetic3A_242 = arith.shrsi %gather3A_239, %shift_right_arithmetic3A_241 : vector<16xi32>
      %shift_left3A_243 = arith.constant 14 : i32
      %shift_left3A_244 = vector.broadcast %shift_left3A_243 : i32 to vector<16xi32>
      %shift_left3A_245 = arith.shli %shift_right_arithmetic3A_242, %shift_left3A_244 : vector<16xi32>
      %and3A_246 = arith.constant 4095 : i32
      %and3A_247 = vector.broadcast %and3A_246 : i32 to vector<16xi32>
      %and3A_248 = arith.andi %gather3A_239, %and3A_247 : vector<16xi32>
      %shift_left3A_249 = arith.constant 2 : i32
      %shift_left3A_250 = vector.broadcast %shift_left3A_249 : i32 to vector<16xi32>
      %shift_left3A_251 = arith.shli %and3A_248, %shift_left3A_250 : vector<16xi32>
      %add3A_252 = arith.addi %shift_left3A_245, %shift_left3A_251 : vector<16xi32>
      %shift_right_arithmetic3A_253 = arith.constant 12 : i32
      %shift_right_arithmetic3A_254 = vector.broadcast %shift_right_arithmetic3A_253 : i32 to vector<16xi32>
      %shift_right_arithmetic3A_255 = arith.shrsi %gather3A_239, %shift_right_arithmetic3A_254 : vector<16xi32>
      %and3A_256 = arith.constant 3 : i32
      %and3A_257 = vector.broadcast %and3A_256 : i32 to vector<16xi32>
      %and3A_258 = arith.andi %shift_right_arithmetic3A_255, %and3A_257 : vector<16xi32>
      %add3A_259 = arith.addi %add3A_252, %and3A_258 : vector<16xi32>
      %swap3A_260 = arith.constant 0 : i32
      %swap3A_261 = arith.index_cast %swap3A_260 : i32 to index
      %swap3A_262 = arith.constant 64 : index
      %swap3A_263 = tpu.vector_load %arg6[%swap3A_261, %swap3A_262] {strides = array<i32>} : memref<4x128xi32, #tpu.memory_space<vmem>>, vector<16xi32>,
      tpu.vector_store %arg6[%swap3A_261, %swap3A_262], %add3A_259 {strides = array<i32>} : memref<4x128xi32, #tpu.memory_space<vmem>>, vector<16xi32>,
      %mul3A_264 = arith.constant 512 : i32
      %mul3A_265 = arith.muli %scan3A_26, %mul3A_264 : i32
      %add3A_266 = arith.addi %mul3A_5, %mul3A_265 : i32
      %add3A_267 = arith.constant 0 : i32
      %add3A_268 = arith.addi %add3A_266, %add3A_267 : i32
      %add3A_269 = arith.constant 80 : i32
      %add3A_270 = arith.addi %add3A_268, %add3A_269 : i32
      %and3A_271 = arith.constant 4095 : i32
      %and3A_272 = arith.andi %add3A_270, %and3A_271 : i32
      %sub3A_273 = arith.subi %add3A_270, %and3A_272 : i32
      %and3A_274 = arith.constant 4095 : i32
      %and3A_275 = arith.andi %add3A_270, %and3A_274 : i32
      %shift_right_arithmetic3A_276 = arith.constant 2 : i32
      %shift_right_arithmetic3A_277 = arith.shrsi %and3A_275, %shift_right_arithmetic3A_276 : i32
      %add3A_278 = arith.addi %sub3A_273, %shift_right_arithmetic3A_277 : i32
      %add3A_279 = vector.broadcast %add3A_278 : i32 to vector<16xi32>
      %add3A_280 = arith.addi %add3A_20, %add3A_279 : vector<16xi32>
      %shift_right_arithmetic3A_281 = arith.constant 7 : i32
      %shift_right_arithmetic3A_282 = vector.broadcast %shift_right_arithmetic3A_281 : i32 to vector<16xi32>
      %shift_right_arithmetic3A_283 = arith.shrsi %add3A_280, %shift_right_arithmetic3A_282 : vector<16xi32>
      %and3A_284 = arith.constant 127 : i32
      %and3A_285 = vector.broadcast %and3A_284 : i32 to vector<16xi32>
      %and3A_286 = arith.andi %add3A_280, %and3A_285 : vector<16xi32>
      %gather3A_287 = tpu.vector_load_idx %arg5[%shift_right_arithmetic3A_283, %and3A_286] : memref<224x128xi32, #tpu.memory_space<vmem>>[vector<16xi32>, vector<16xi32>], vector<16xi32>,
      %shift_right_arithmetic3A_288 = arith.constant 14 : i32
      %shift_right_arithmetic3A_289 = vector.broadcast %shift_right_arithmetic3A_288 : i32 to vector<16xi32>
      %shift_right_arithmetic3A_290 = arith.shrsi %gather3A_287, %shift_right_arithmetic3A_289 : vector<16xi32>
      %shift_left3A_291 = arith.constant 14 : i32
      %shift_left3A_292 = vector.broadcast %shift_left3A_291 : i32 to vector<16xi32>
      %shift_left3A_293 = arith.shli %shift_right_arithmetic3A_290, %shift_left3A_292 : vector<16xi32>
      %and3A_294 = arith.constant 4095 : i32
      %and3A_295 = vector.broadcast %and3A_294 : i32 to vector<16xi32>
      %and3A_296 = arith.andi %gather3A_287, %and3A_295 : vector<16xi32>
      %shift_left3A_297 = arith.constant 2 : i32
      %shift_left3A_298 = vector.broadcast %shift_left3A_297 : i32 to vector<16xi32>
      %shift_left3A_299 = arith.shli %and3A_296, %shift_left3A_298 : vector<16xi32>
      %add3A_300 = arith.addi %shift_left3A_293, %shift_left3A_299 : vector<16xi32>
      %shift_right_arithmetic3A_301 = arith.constant 12 : i32
      %shift_right_arithmetic3A_302 = vector.broadcast %shift_right_arithmetic3A_301 : i32 to vector<16xi32>
      %shift_right_arithmetic3A_303 = arith.shrsi %gather3A_287, %shift_right_arithmetic3A_302 : vector<16xi32>
      %and3A_304 = arith.constant 3 : i32
      %and3A_305 = vector.broadcast %and3A_304 : i32 to vector<16xi32>
      %and3A_306 = arith.andi %shift_right_arithmetic3A_303, %and3A_305 : vector<16xi32>
      %add3A_307 = arith.addi %add3A_300, %and3A_306 : vector<16xi32>
      %swap3A_308 = arith.constant 0 : i32
      %swap3A_309 = arith.index_cast %swap3A_308 : i32 to index
      %swap3A_310 = arith.constant 80 : index
      %swap3A_311 = tpu.vector_load %arg6[%swap3A_309, %swap3A_310] {strides = array<i32>} : memref<4x128xi32, #tpu.memory_space<vmem>>, vector<16xi32>,
      tpu.vector_store %arg6[%swap3A_309, %swap3A_310], %add3A_307 {strides = array<i32>} : memref<4x128xi32, #tpu.memory_space<vmem>>, vector<16xi32>,
      %mul3A_312 = arith.constant 512 : i32
      %mul3A_313 = arith.muli %scan3A_26, %mul3A_312 : i32
      %add3A_314 = arith.addi %mul3A_5, %mul3A_313 : i32
      %add3A_315 = arith.constant 0 : i32
      %add3A_316 = arith.addi %add3A_314, %add3A_315 : i32
      %add3A_317 = arith.constant 96 : i32
      %add3A_318 = arith.addi %add3A_316, %add3A_317 : i32
      %and3A_319 = arith.constant 4095 : i32
      %and3A_320 = arith.andi %add3A_318, %and3A_319 : i32
      %sub3A_321 = arith.subi %add3A_318, %and3A_320 : i32
      %and3A_322 = arith.constant 4095 : i32
      %and3A_323 = arith.andi %add3A_318, %and3A_322 : i32
      %shift_right_arithmetic3A_324 = arith.constant 2 : i32
      %shift_right_arithmetic3A_325 = arith.shrsi %and3A_323, %shift_right_arithmetic3A_324 : i32
      %add3A_326 = arith.addi %sub3A_321, %shift_right_arithmetic3A_325 : i32
      %add3A_327 = vector.broadcast %add3A_326 : i32 to vector<16xi32>
      %add3A_328 = arith.addi %add3A_20, %add3A_327 : vector<16xi32>
      %shift_right_arithmetic3A_329 = arith.constant 7 : i32
      %shift_right_arithmetic3A_330 = vector.broadcast %shift_right_arithmetic3A_329 : i32 to vector<16xi32>
      %shift_right_arithmetic3A_331 = arith.shrsi %add3A_328, %shift_right_arithmetic3A_330 : vector<16xi32>
      %and3A_332 = arith.constant 127 : i32
      %and3A_333 = vector.broadcast %and3A_332 : i32 to vector<16xi32>
      %and3A_334 = arith.andi %add3A_328, %and3A_333 : vector<16xi32>
      %gather3A_335 = tpu.vector_load_idx %arg5[%shift_right_arithmetic3A_331, %and3A_334] : memref<224x128xi32, #tpu.memory_space<vmem>>[vector<16xi32>, vector<16xi32>], vector<16xi32>,
      %shift_right_arithmetic3A_336 = arith.constant 14 : i32
      %shift_right_arithmetic3A_337 = vector.broadcast %shift_right_arithmetic3A_336 : i32 to vector<16xi32>
      %shift_right_arithmetic3A_338 = arith.shrsi %gather3A_335, %shift_right_arithmetic3A_337 : vector<16xi32>
      %shift_left3A_339 = arith.constant 14 : i32
      %shift_left3A_340 = vector.broadcast %shift_left3A_339 : i32 to vector<16xi32>
      %shift_left3A_341 = arith.shli %shift_right_arithmetic3A_338, %shift_left3A_340 : vector<16xi32>
      %and3A_342 = arith.constant 4095 : i32
      %and3A_343 = vector.broadcast %and3A_342 : i32 to vector<16xi32>
      %and3A_344 = arith.andi %gather3A_335, %and3A_343 : vector<16xi32>
      %shift_left3A_345 = arith.constant 2 : i32
      %shift_left3A_346 = vector.broadcast %shift_left3A_345 : i32 to vector<16xi32>
      %shift_left3A_347 = arith.shli %and3A_344, %shift_left3A_346 : vector<16xi32>
      %add3A_348 = arith.addi %shift_left3A_341, %shift_left3A_347 : vector<16xi32>
      %shift_right_arithmetic3A_349 = arith.constant 12 : i32
      %shift_right_arithmetic3A_350 = vector.broadcast %shift_right_arithmetic3A_349 : i32 to vector<16xi32>
      %shift_right_arithmetic3A_351 = arith.shrsi %gather3A_335, %shift_right_arithmetic3A_350 : vector<16xi32>
      %and3A_352 = arith.constant 3 : i32
      %and3A_353 = vector.broadcast %and3A_352 : i32 to vector<16xi32>
      %and3A_354 = arith.andi %shift_right_arithmetic3A_351, %and3A_353 : vector<16xi32>
      %add3A_355 = arith.addi %add3A_348, %and3A_354 : vector<16xi32>
      %swap3A_356 = arith.constant 0 : i32
      %swap3A_357 = arith.index_cast %swap3A_356 : i32 to index
      %swap3A_358 = arith.constant 96 : index
      %swap3A_359 = tpu.vector_load %arg6[%swap3A_357, %swap3A_358] {strides = array<i32>} : memref<4x128xi32, #tpu.memory_space<vmem>>, vector<16xi32>,
      tpu.vector_store %arg6[%swap3A_357, %swap3A_358], %add3A_355 {strides = array<i32>} : memref<4x128xi32, #tpu.memory_space<vmem>>, vector<16xi32>,
      %mul3A_360 = arith.constant 512 : i32
      %mul3A_361 = arith.muli %scan3A_26, %mul3A_360 : i32
      %add3A_362 = arith.addi %mul3A_5, %mul3A_361 : i32
      %add3A_363 = arith.constant 0 : i32
      %add3A_364 = arith.addi %add3A_362, %add3A_363 : i32
      %add3A_365 = arith.constant 112 : i32
      %add3A_366 = arith.addi %add3A_364, %add3A_365 : i32
      %and3A_367 = arith.constant 4095 : i32
      %and3A_368 = arith.andi %add3A_366, %and3A_367 : i32
      %sub3A_369 = arith.subi %add3A_366, %and3A_368 : i32
      %and3A_370 = arith.constant 4095 : i32
      %and3A_371 = arith.andi %add3A_366, %and3A_370 : i32
      %shift_right_arithmetic3A_372 = arith.constant 2 : i32
      %shift_right_arithmetic3A_373 = arith.shrsi %and3A_371, %shift_right_arithmetic3A_372 : i32
      %add3A_374 = arith.addi %sub3A_369, %shift_right_arithmetic3A_373 : i32
      %add3A_375 = vector.broadcast %add3A_374 : i32 to vector<16xi32>
      %add3A_376 = arith.addi %add3A_20, %add3A_375 : vector<16xi32>
      %shift_right_arithmetic3A_377 = arith.constant 7 : i32
      %shift_right_arithmetic3A_378 = vector.broadcast %shift_right_arithmetic3A_377 : i32 to vector<16xi32>
      %shift_right_arithmetic3A_379 = arith.shrsi %add3A_376, %shift_right_arithmetic3A_378 : vector<16xi32>
      %and3A_380 = arith.constant 127 : i32
      %and3A_381 = vector.broadcast %and3A_380 : i32 to vector<16xi32>
      %and3A_382 = arith.andi %add3A_376, %and3A_381 : vector<16xi32>
      %gather3A_383 = tpu.vector_load_idx %arg5[%shift_right_arithmetic3A_379, %and3A_382] : memref<224x128xi32, #tpu.memory_space<vmem>>[vector<16xi32>, vector<16xi32>], vector<16xi32>,
      %shift_right_arithmetic3A_384 = arith.constant 14 : i32
      %shift_right_arithmetic3A_385 = vector.broadcast %shift_right_arithmetic3A_384 : i32 to vector<16xi32>
      %shift_right_arithmetic3A_386 = arith.shrsi %gather3A_383, %shift_right_arithmetic3A_385 : vector<16xi32>
      %shift_left3A_387 = arith.constant 14 : i32
      %shift_left3A_388 = vector.broadcast %shift_left3A_387 : i32 to vector<16xi32>
      %shift_left3A_389 = arith.shli %shift_right_arithmetic3A_386, %shift_left3A_388 : vector<16xi32>
      %and3A_390 = arith.constant 4095 : i32
      %and3A_391 = vector.broadcast %and3A_390 : i32 to vector<16xi32>
      %and3A_392 = arith.andi %gather3A_383, %and3A_391 : vector<16xi32>
      %shift_left3A_393 = arith.constant 2 : i32
      %shift_left3A_394 = vector.broadcast %shift_left3A_393 : i32 to vector<16xi32>
      %shift_left3A_395 = arith.shli %and3A_392, %shift_left3A_394 : vector<16xi32>
      %add3A_396 = arith.addi %shift_left3A_389, %shift_left3A_395 : vector<16xi32>
      %shift_right_arithmetic3A_397 = arith.constant 12 : i32
      %shift_right_arithmetic3A_398 = vector.broadcast %shift_right_arithmetic3A_397 : i32 to vector<16xi32>
      %shift_right_arithmetic3A_399 = arith.shrsi %gather3A_383, %shift_right_arithmetic3A_398 : vector<16xi32>
      %and3A_400 = arith.constant 3 : i32
      %and3A_401 = vector.broadcast %and3A_400 : i32 to vector<16xi32>
      %and3A_402 = arith.andi %shift_right_arithmetic3A_399, %and3A_401 : vector<16xi32>
      %add3A_403 = arith.addi %add3A_396, %and3A_402 : vector<16xi32>
      %swap3A_404 = arith.constant 0 : i32
      %swap3A_405 = arith.index_cast %swap3A_404 : i32 to index
      %swap3A_406 = arith.constant 112 : index
      %swap3A_407 = tpu.vector_load %arg6[%swap3A_405, %swap3A_406] {strides = array<i32>} : memref<4x128xi32, #tpu.memory_space<vmem>>, vector<16xi32>,
      tpu.vector_store %arg6[%swap3A_405, %swap3A_406], %add3A_403 {strides = array<i32>} : memref<4x128xi32, #tpu.memory_space<vmem>>, vector<16xi32>,
      %mul3A_408 = arith.constant 512 : i32
      %mul3A_409 = arith.muli %scan3A_26, %mul3A_408 : i32
      %add3A_410 = arith.addi %mul3A_5, %mul3A_409 : i32
      %add3A_411 = arith.constant 128 : i32
      %add3A_412 = arith.addi %add3A_410, %add3A_411 : i32
      %add3A_413 = arith.constant 0 : i32
      %add3A_414 = arith.addi %add3A_412, %add3A_413 : i32
      %and3A_415 = arith.constant 4095 : i32
      %and3A_416 = arith.andi %add3A_414, %and3A_415 : i32
      %sub3A_417 = arith.subi %add3A_414, %and3A_416 : i32
      %and3A_418 = arith.constant 4095 : i32
      %and3A_419 = arith.andi %add3A_414, %and3A_418 : i32
      %shift_right_arithmetic3A_420 = arith.constant 2 : i32
      %shift_right_arithmetic3A_421 = arith.shrsi %and3A_419, %shift_right_arithmetic3A_420 : i32
      %add3A_422 = arith.addi %sub3A_417, %shift_right_arithmetic3A_421 : i32
      %add3A_423 = vector.broadcast %add3A_422 : i32 to vector<16xi32>
      %add3A_424 = arith.addi %add3A_20, %add3A_423 : vector<16xi32>
      %shift_right_arithmetic3A_425 = arith.constant 7 : i32
      %shift_right_arithmetic3A_426 = vector.broadcast %shift_right_arithmetic3A_425 : i32 to vector<16xi32>
      %shift_right_arithmetic3A_427 = arith.shrsi %add3A_424, %shift_right_arithmetic3A_426 : vector<16xi32>
      %and3A_428 = arith.constant 127 : i32
      %and3A_429 = vector.broadcast %and3A_428 : i32 to vector<16xi32>
      %and3A_430 = arith.andi %add3A_424, %and3A_429 : vector<16xi32>
      %gather3A_431 = tpu.vector_load_idx %arg5[%shift_right_arithmetic3A_427, %and3A_430] : memref<224x128xi32, #tpu.memory_space<vmem>>[vector<16xi32>, vector<16xi32>], vector<16xi32>,
      %shift_right_arithmetic3A_432 = arith.constant 14 : i32
      %shift_right_arithmetic3A_433 = vector.broadcast %shift_right_arithmetic3A_432 : i32 to vector<16xi32>
      %shift_right_arithmetic3A_434 = arith.shrsi %gather3A_431, %shift_right_arithmetic3A_433 : vector<16xi32>
      %shift_left3A_435 = arith.constant 14 : i32
      %shift_left3A_436 = vector.broadcast %shift_left3A_435 : i32 to vector<16xi32>
      %shift_left3A_437 = arith.shli %shift_right_arithmetic3A_434, %shift_left3A_436 : vector<16xi32>
      %and3A_438 = arith.constant 4095 : i32
      %and3A_439 = vector.broadcast %and3A_438 : i32 to vector<16xi32>
      %and3A_440 = arith.andi %gather3A_431, %and3A_439 : vector<16xi32>
      %shift_left3A_441 = arith.constant 2 : i32
      %shift_left3A_442 = vector.broadcast %shift_left3A_441 : i32 to vector<16xi32>
      %shift_left3A_443 = arith.shli %and3A_440, %shift_left3A_442 : vector<16xi32>
      %add3A_444 = arith.addi %shift_left3A_437, %shift_left3A_443 : vector<16xi32>
      %shift_right_arithmetic3A_445 = arith.constant 12 : i32
      %shift_right_arithmetic3A_446 = vector.broadcast %shift_right_arithmetic3A_445 : i32 to vector<16xi32>
      %shift_right_arithmetic3A_447 = arith.shrsi %gather3A_431, %shift_right_arithmetic3A_446 : vector<16xi32>
      %and3A_448 = arith.constant 3 : i32
      %and3A_449 = vector.broadcast %and3A_448 : i32 to vector<16xi32>
      %and3A_450 = arith.andi %shift_right_arithmetic3A_447, %and3A_449 : vector<16xi32>
      %add3A_451 = arith.addi %add3A_444, %and3A_450 : vector<16xi32>
      %swap3A_452 = arith.constant 1 : i32
      %swap3A_453 = arith.index_cast %swap3A_452 : i32 to index
      %swap3A_454 = arith.constant 0 : index
      %swap3A_455 = tpu.vector_load %arg6[%swap3A_453, %swap3A_454] {strides = array<i32>} : memref<4x128xi32, #tpu.memory_space<vmem>>, vector<16xi32>,
      tpu.vector_store %arg6[%swap3A_453, %swap3A_454], %add3A_451 {strides = array<i32>} : memref<4x128xi32, #tpu.memory_space<vmem>>, vector<16xi32>,
      %mul3A_456 = arith.constant 512 : i32
      %mul3A_457 = arith.muli %scan3A_26, %mul3A_456 : i32
      %add3A_458 = arith.addi %mul3A_5, %mul3A_457 : i32
      %add3A_459 = arith.constant 128 : i32
      %add3A_460 = arith.addi %add3A_458, %add3A_459 : i32
      %add3A_461 = arith.constant 16 : i32
      %add3A_462 = arith.addi %add3A_460, %add3A_461 : i32
      %and3A_463 = arith.constant 4095 : i32
      %and3A_464 = arith.andi %add3A_462, %and3A_463 : i32
      %sub3A_465 = arith.subi %add3A_462, %and3A_464 : i32
      %and3A_466 = arith.constant 4095 : i32
      %and3A_467 = arith.andi %add3A_462, %and3A_466 : i32
      %shift_right_arithmetic3A_468 = arith.constant 2 : i32
      %shift_right_arithmetic3A_469 = arith.shrsi %and3A_467, %shift_right_arithmetic3A_468 : i32
      %add3A_470 = arith.addi %sub3A_465, %shift_right_arithmetic3A_469 : i32
      %add3A_471 = vector.broadcast %add3A_470 : i32 to vector<16xi32>
      %add3A_472 = arith.addi %add3A_20, %add3A_471 : vector<16xi32>
      %shift_right_arithmetic3A_473 = arith.constant 7 : i32
      %shift_right_arithmetic3A_474 = vector.broadcast %shift_right_arithmetic3A_473 : i32 to vector<16xi32>
      %shift_right_arithmetic3A_475 = arith.shrsi %add3A_472, %shift_right_arithmetic3A_474 : vector<16xi32>
      %and3A_476 = arith.constant 127 : i32
      %and3A_477 = vector.broadcast %and3A_476 : i32 to vector<16xi32>
      %and3A_478 = arith.andi %add3A_472, %and3A_477 : vector<16xi32>
      %gather3A_479 = tpu.vector_load_idx %arg5[%shift_right_arithmetic3A_475, %and3A_478] : memref<224x128xi32, #tpu.memory_space<vmem>>[vector<16xi32>, vector<16xi32>], vector<16xi32>,
      %shift_right_arithmetic3A_480 = arith.constant 14 : i32
      %shift_right_arithmetic3A_481 = vector.broadcast %shift_right_arithmetic3A_480 : i32 to vector<16xi32>
      %shift_right_arithmetic3A_482 = arith.shrsi %gather3A_479, %shift_right_arithmetic3A_481 : vector<16xi32>
      %shift_left3A_483 = arith.constant 14 : i32
      %shift_left3A_484 = vector.broadcast %shift_left3A_483 : i32 to vector<16xi32>
      %shift_left3A_485 = arith.shli %shift_right_arithmetic3A_482, %shift_left3A_484 : vector<16xi32>
      %and3A_486 = arith.constant 4095 : i32
      %and3A_487 = vector.broadcast %and3A_486 : i32 to vector<16xi32>
      %and3A_488 = arith.andi %gather3A_479, %and3A_487 : vector<16xi32>
      %shift_left3A_489 = arith.constant 2 : i32
      %shift_left3A_490 = vector.broadcast %shift_left3A_489 : i32 to vector<16xi32>
      %shift_left3A_491 = arith.shli %and3A_488, %shift_left3A_490 : vector<16xi32>
      %add3A_492 = arith.addi %shift_left3A_485, %shift_left3A_491 : vector<16xi32>
      %shift_right_arithmetic3A_493 = arith.constant 12 : i32
      %shift_right_arithmetic3A_494 = vector.broadcast %shift_right_arithmetic3A_493 : i32 to vector<16xi32>
      %shift_right_arithmetic3A_495 = arith.shrsi %gather3A_479, %shift_right_arithmetic3A_494 : vector<16xi32>
      %and3A_496 = arith.constant 3 : i32
      %and3A_497 = vector.broadcast %and3A_496 : i32 to vector<16xi32>
      %and3A_498 = arith.andi %shift_right_arithmetic3A_495, %and3A_497 : vector<16xi32>
      %add3A_499 = arith.addi %add3A_492, %and3A_498 : vector<16xi32>
      %swap3A_500 = arith.constant 1 : i32
      %swap3A_501 = arith.index_cast %swap3A_500 : i32 to index
      %swap3A_502 = arith.constant 16 : index
      %swap3A_503 = tpu.vector_load %arg6[%swap3A_501, %swap3A_502] {strides = array<i32>} : memref<4x128xi32, #tpu.memory_space<vmem>>, vector<16xi32>,
      tpu.vector_store %arg6[%swap3A_501, %swap3A_502], %add3A_499 {strides = array<i32>} : memref<4x128xi32, #tpu.memory_space<vmem>>, vector<16xi32>,
      %mul3A_504 = arith.constant 512 : i32
      %mul3A_505 = arith.muli %scan3A_26, %mul3A_504 : i32
      %add3A_506 = arith.addi %mul3A_5, %mul3A_505 : i32
      %add3A_507 = arith.constant 128 : i32
      %add3A_508 = arith.addi %add3A_506, %add3A_507 : i32
      %add3A_509 = arith.constant 32 : i32
      %add3A_510 = arith.addi %add3A_508, %add3A_509 : i32
      %and3A_511 = arith.constant 4095 : i32
      %and3A_512 = arith.andi %add3A_510, %and3A_511 : i32
      %sub3A_513 = arith.subi %add3A_510, %and3A_512 : i32
      %and3A_514 = arith.constant 4095 : i32
      %and3A_515 = arith.andi %add3A_510, %and3A_514 : i32
      %shift_right_arithmetic3A_516 = arith.constant 2 : i32
      %shift_right_arithmetic3A_517 = arith.shrsi %and3A_515, %shift_right_arithmetic3A_516 : i32
      %add3A_518 = arith.addi %sub3A_513, %shift_right_arithmetic3A_517 : i32
      %add3A_519 = vector.broadcast %add3A_518 : i32 to vector<16xi32>
      %add3A_520 = arith.addi %add3A_20, %add3A_519 : vector<16xi32>
      %shift_right_arithmetic3A_521 = arith.constant 7 : i32
      %shift_right_arithmetic3A_522 = vector.broadcast %shift_right_arithmetic3A_521 : i32 to vector<16xi32>
      %shift_right_arithmetic3A_523 = arith.shrsi %add3A_520, %shift_right_arithmetic3A_522 : vector<16xi32>
      %and3A_524 = arith.constant 127 : i32
      %and3A_525 = vector.broadcast %and3A_524 : i32 to vector<16xi32>
      %and3A_526 = arith.andi %add3A_520, %and3A_525 : vector<16xi32>
      %gather3A_527 = tpu.vector_load_idx %arg5[%shift_right_arithmetic3A_523, %and3A_526] : memref<224x128xi32, #tpu.memory_space<vmem>>[vector<16xi32>, vector<16xi32>], vector<16xi32>,
      %shift_right_arithmetic3A_528 = arith.constant 14 : i32
      %shift_right_arithmetic3A_529 = vector.broadcast %shift_right_arithmetic3A_528 : i32 to vector<16xi32>
      %shift_right_arithmetic3A_530 = arith.shrsi %gather3A_527, %shift_right_arithmetic3A_529 : vector<16xi32>
      %shift_left3A_531 = arith.constant 14 : i32
      %shift_left3A_532 = vector.broadcast %shift_left3A_531 : i32 to vector<16xi32>
      %shift_left3A_533 = arith.shli %shift_right_arithmetic3A_530, %shift_left3A_532 : vector<16xi32>
      %and3A_534 = arith.constant 4095 : i32
      %and3A_535 = vector.broadcast %and3A_534 : i32 to vector<16xi32>
      %and3A_536 = arith.andi %gather3A_527, %and3A_535 : vector<16xi32>
      %shift_left3A_537 = arith.constant 2 : i32
      %shift_left3A_538 = vector.broadcast %shift_left3A_537 : i32 to vector<16xi32>
      %shift_left3A_539 = arith.shli %and3A_536, %shift_left3A_538 : vector<16xi32>
      %add3A_540 = arith.addi %shift_left3A_533, %shift_left3A_539 : vector<16xi32>
      %shift_right_arithmetic3A_541 = arith.constant 12 : i32
      %shift_right_arithmetic3A_542 = vector.broadcast %shift_right_arithmetic3A_541 : i32 to vector<16xi32>
      %shift_right_arithmetic3A_543 = arith.shrsi %gather3A_527, %shift_right_arithmetic3A_542 : vector<16xi32>
      %and3A_544 = arith.constant 3 : i32
      %and3A_545 = vector.broadcast %and3A_544 : i32 to vector<16xi32>
      %and3A_546 = arith.andi %shift_right_arithmetic3A_543, %and3A_545 : vector<16xi32>
      %add3A_547 = arith.addi %add3A_540, %and3A_546 : vector<16xi32>
      %swap3A_548 = arith.constant 1 : i32
      %swap3A_549 = arith.index_cast %swap3A_548 : i32 to index
      %swap3A_550 = arith.constant 32 : index
      %swap3A_551 = tpu.vector_load %arg6[%swap3A_549, %swap3A_550] {strides = array<i32>} : memref<4x128xi32, #tpu.memory_space<vmem>>, vector<16xi32>,
      tpu.vector_store %arg6[%swap3A_549, %swap3A_550], %add3A_547 {strides = array<i32>} : memref<4x128xi32, #tpu.memory_space<vmem>>, vector<16xi32>,
      %mul3A_552 = arith.constant 512 : i32
      %mul3A_553 = arith.muli %scan3A_26, %mul3A_552 : i32
      %add3A_554 = arith.addi %mul3A_5, %mul3A_553 : i32
      %add3A_555 = arith.constant 128 : i32
      %add3A_556 = arith.addi %add3A_554, %add3A_555 : i32
      %add3A_557 = arith.constant 48 : i32
      %add3A_558 = arith.addi %add3A_556, %add3A_557 : i32
      %and3A_559 = arith.constant 4095 : i32
      %and3A_560 = arith.andi %add3A_558, %and3A_559 : i32
      %sub3A_561 = arith.subi %add3A_558, %and3A_560 : i32
      %and3A_562 = arith.constant 4095 : i32
      %and3A_563 = arith.andi %add3A_558, %and3A_562 : i32
      %shift_right_arithmetic3A_564 = arith.constant 2 : i32
      %shift_right_arithmetic3A_565 = arith.shrsi %and3A_563, %shift_right_arithmetic3A_564 : i32
      %add3A_566 = arith.addi %sub3A_561, %shift_right_arithmetic3A_565 : i32
      %add3A_567 = vector.broadcast %add3A_566 : i32 to vector<16xi32>
      %add3A_568 = arith.addi %add3A_20, %add3A_567 : vector<16xi32>
      %shift_right_arithmetic3A_569 = arith.constant 7 : i32
      %shift_right_arithmetic3A_570 = vector.broadcast %shift_right_arithmetic3A_569 : i32 to vector<16xi32>
      %shift_right_arithmetic3A_571 = arith.shrsi %add3A_568, %shift_right_arithmetic3A_570 : vector<16xi32>
      %and3A_572 = arith.constant 127 : i32
      %and3A_573 = vector.broadcast %and3A_572 : i32 to vector<16xi32>
      %and3A_574 = arith.andi %add3A_568, %and3A_573 : vector<16xi32>
      %gather3A_575 = tpu.vector_load_idx %arg5[%shift_right_arithmetic3A_571, %and3A_574] : memref<224x128xi32, #tpu.memory_space<vmem>>[vector<16xi32>, vector<16xi32>], vector<16xi32>,
      %shift_right_arithmetic3A_576 = arith.constant 14 : i32
      %shift_right_arithmetic3A_577 = vector.broadcast %shift_right_arithmetic3A_576 : i32 to vector<16xi32>
      %shift_right_arithmetic3A_578 = arith.shrsi %gather3A_575, %shift_right_arithmetic3A_577 : vector<16xi32>
      %shift_left3A_579 = arith.constant 14 : i32
      %shift_left3A_580 = vector.broadcast %shift_left3A_579 : i32 to vector<16xi32>
      %shift_left3A_581 = arith.shli %shift_right_arithmetic3A_578, %shift_left3A_580 : vector<16xi32>
      %and3A_582 = arith.constant 4095 : i32
      %and3A_583 = vector.broadcast %and3A_582 : i32 to vector<16xi32>
      %and3A_584 = arith.andi %gather3A_575, %and3A_583 : vector<16xi32>
      %shift_left3A_585 = arith.constant 2 : i32
      %shift_left3A_586 = vector.broadcast %shift_left3A_585 : i32 to vector<16xi32>
      %shift_left3A_587 = arith.shli %and3A_584, %shift_left3A_586 : vector<16xi32>
      %add3A_588 = arith.addi %shift_left3A_581, %shift_left3A_587 : vector<16xi32>
      %shift_right_arithmetic3A_589 = arith.constant 12 : i32
      %shift_right_arithmetic3A_590 = vector.broadcast %shift_right_arithmetic3A_589 : i32 to vector<16xi32>
      %shift_right_arithmetic3A_591 = arith.shrsi %gather3A_575, %shift_right_arithmetic3A_590 : vector<16xi32>
      %and3A_592 = arith.constant 3 : i32
      %and3A_593 = vector.broadcast %and3A_592 : i32 to vector<16xi32>
      %and3A_594 = arith.andi %shift_right_arithmetic3A_591, %and3A_593 : vector<16xi32>
      %add3A_595 = arith.addi %add3A_588, %and3A_594 : vector<16xi32>
      %swap3A_596 = arith.constant 1 : i32
      %swap3A_597 = arith.index_cast %swap3A_596 : i32 to index
      %swap3A_598 = arith.constant 48 : index
      %swap3A_599 = tpu.vector_load %arg6[%swap3A_597, %swap3A_598] {strides = array<i32>} : memref<4x128xi32, #tpu.memory_space<vmem>>, vector<16xi32>,
      tpu.vector_store %arg6[%swap3A_597, %swap3A_598], %add3A_595 {strides = array<i32>} : memref<4x128xi32, #tpu.memory_space<vmem>>, vector<16xi32>,
      %mul3A_600 = arith.constant 512 : i32
      %mul3A_601 = arith.muli %scan3A_26, %mul3A_600 : i32
      %add3A_602 = arith.addi %mul3A_5, %mul3A_601 : i32
      %add3A_603 = arith.constant 128 : i32
      %add3A_604 = arith.addi %add3A_602, %add3A_603 : i32
      %add3A_605 = arith.constant 64 : i32
      %add3A_606 = arith.addi %add3A_604, %add3A_605 : i32
      %and3A_607 = arith.constant 4095 : i32
      %and3A_608 = arith.andi %add3A_606, %and3A_607 : i32
      %sub3A_609 = arith.subi %add3A_606, %and3A_608 : i32
      %and3A_610 = arith.constant 4095 : i32
      %and3A_611 = arith.andi %add3A_606, %and3A_610 : i32
      %shift_right_arithmetic3A_612 = arith.constant 2 : i32
      %shift_right_arithmetic3A_613 = arith.shrsi %and3A_611, %shift_right_arithmetic3A_612 : i32
      %add3A_614 = arith.addi %sub3A_609, %shift_right_arithmetic3A_613 : i32
      %add3A_615 = vector.broadcast %add3A_614 : i32 to vector<16xi32>
      %add3A_616 = arith.addi %add3A_20, %add3A_615 : vector<16xi32>
      %shift_right_arithmetic3A_617 = arith.constant 7 : i32
      %shift_right_arithmetic3A_618 = vector.broadcast %shift_right_arithmetic3A_617 : i32 to vector<16xi32>
      %shift_right_arithmetic3A_619 = arith.shrsi %add3A_616, %shift_right_arithmetic3A_618 : vector<16xi32>
      %and3A_620 = arith.constant 127 : i32
      %and3A_621 = vector.broadcast %and3A_620 : i32 to vector<16xi32>
      %and3A_622 = arith.andi %add3A_616, %and3A_621 : vector<16xi32>
      %gather3A_623 = tpu.vector_load_idx %arg5[%shift_right_arithmetic3A_619, %and3A_622] : memref<224x128xi32, #tpu.memory_space<vmem>>[vector<16xi32>, vector<16xi32>], vector<16xi32>,
      %shift_right_arithmetic3A_624 = arith.constant 14 : i32
      %shift_right_arithmetic3A_625 = vector.broadcast %shift_right_arithmetic3A_624 : i32 to vector<16xi32>
      %shift_right_arithmetic3A_626 = arith.shrsi %gather3A_623, %shift_right_arithmetic3A_625 : vector<16xi32>
      %shift_left3A_627 = arith.constant 14 : i32
      %shift_left3A_628 = vector.broadcast %shift_left3A_627 : i32 to vector<16xi32>
      %shift_left3A_629 = arith.shli %shift_right_arithmetic3A_626, %shift_left3A_628 : vector<16xi32>
      %and3A_630 = arith.constant 4095 : i32
      %and3A_631 = vector.broadcast %and3A_630 : i32 to vector<16xi32>
      %and3A_632 = arith.andi %gather3A_623, %and3A_631 : vector<16xi32>
      %shift_left3A_633 = arith.constant 2 : i32
      %shift_left3A_634 = vector.broadcast %shift_left3A_633 : i32 to vector<16xi32>
      %shift_left3A_635 = arith.shli %and3A_632, %shift_left3A_634 : vector<16xi32>
      %add3A_636 = arith.addi %shift_left3A_629, %shift_left3A_635 : vector<16xi32>
      %shift_right_arithmetic3A_637 = arith.constant 12 : i32
      %shift_right_arithmetic3A_638 = vector.broadcast %shift_right_arithmetic3A_637 : i32 to vector<16xi32>
      %shift_right_arithmetic3A_639 = arith.shrsi %gather3A_623, %shift_right_arithmetic3A_638 : vector<16xi32>
      %and3A_640 = arith.constant 3 : i32
      %and3A_641 = vector.broadcast %and3A_640 : i32 to vector<16xi32>
      %and3A_642 = arith.andi %shift_right_arithmetic3A_639, %and3A_641 : vector<16xi32>
      %add3A_643 = arith.addi %add3A_636, %and3A_642 : vector<16xi32>
      %swap3A_644 = arith.constant 1 : i32
      %swap3A_645 = arith.index_cast %swap3A_644 : i32 to index
      %swap3A_646 = arith.constant 64 : index
      %swap3A_647 = tpu.vector_load %arg6[%swap3A_645, %swap3A_646] {strides = array<i32>} : memref<4x128xi32, #tpu.memory_space<vmem>>, vector<16xi32>,
      tpu.vector_store %arg6[%swap3A_645, %swap3A_646], %add3A_643 {strides = array<i32>} : memref<4x128xi32, #tpu.memory_space<vmem>>, vector<16xi32>,
      %mul3A_648 = arith.constant 512 : i32
      %mul3A_649 = arith.muli %scan3A_26, %mul3A_648 : i32
      %add3A_650 = arith.addi %mul3A_5, %mul3A_649 : i32
      %add3A_651 = arith.constant 128 : i32
      %add3A_652 = arith.addi %add3A_650, %add3A_651 : i32
      %add3A_653 = arith.constant 80 : i32
      %add3A_654 = arith.addi %add3A_652, %add3A_653 : i32
      %and3A_655 = arith.constant 4095 : i32
      %and3A_656 = arith.andi %add3A_654, %and3A_655 : i32
      %sub3A_657 = arith.subi %add3A_654, %and3A_656 : i32
      %and3A_658 = arith.constant 4095 : i32
      %and3A_659 = arith.andi %add3A_654, %and3A_658 : i32
      %shift_right_arithmetic3A_660 = arith.constant 2 : i32
      %shift_right_arithmetic3A_661 = arith.shrsi %and3A_659, %shift_right_arithmetic3A_660 : i32
      %add3A_662 = arith.addi %sub3A_657, %shift_right_arithmetic3A_661 : i32
      %add3A_663 = vector.broadcast %add3A_662 : i32 to vector<16xi32>
      %add3A_664 = arith.addi %add3A_20, %add3A_663 : vector<16xi32>
      %shift_right_arithmetic3A_665 = arith.constant 7 : i32
      %shift_right_arithmetic3A_666 = vector.broadcast %shift_right_arithmetic3A_665 : i32 to vector<16xi32>
      %shift_right_arithmetic3A_667 = arith.shrsi %add3A_664, %shift_right_arithmetic3A_666 : vector<16xi32>
      %and3A_668 = arith.constant 127 : i32
      %and3A_669 = vector.broadcast %and3A_668 : i32 to vector<16xi32>
      %and3A_670 = arith.andi %add3A_664, %and3A_669 : vector<16xi32>
      %gather3A_671 = tpu.vector_load_idx %arg5[%shift_right_arithmetic3A_667, %and3A_670] : memref<224x128xi32, #tpu.memory_space<vmem>>[vector<16xi32>, vector<16xi32>], vector<16xi32>,
      %shift_right_arithmetic3A_672 = arith.constant 14 : i32
      %shift_right_arithmetic3A_673 = vector.broadcast %shift_right_arithmetic3A_672 : i32 to vector<16xi32>
      %shift_right_arithmetic3A_674 = arith.shrsi %gather3A_671, %shift_right_arithmetic3A_673 : vector<16xi32>
      %shift_left3A_675 = arith.constant 14 : i32
      %shift_left3A_676 = vector.broadcast %shift_left3A_675 : i32 to vector<16xi32>
      %shift_left3A_677 = arith.shli %shift_right_arithmetic3A_674, %shift_left3A_676 : vector<16xi32>
      %and3A_678 = arith.constant 4095 : i32
      %and3A_679 = vector.broadcast %and3A_678 : i32 to vector<16xi32>
      %and3A_680 = arith.andi %gather3A_671, %and3A_679 : vector<16xi32>
      %shift_left3A_681 = arith.constant 2 : i32
      %shift_left3A_682 = vector.broadcast %shift_left3A_681 : i32 to vector<16xi32>
      %shift_left3A_683 = arith.shli %and3A_680, %shift_left3A_682 : vector<16xi32>
      %add3A_684 = arith.addi %shift_left3A_677, %shift_left3A_683 : vector<16xi32>
      %shift_right_arithmetic3A_685 = arith.constant 12 : i32
      %shift_right_arithmetic3A_686 = vector.broadcast %shift_right_arithmetic3A_685 : i32 to vector<16xi32>
      %shift_right_arithmetic3A_687 = arith.shrsi %gather3A_671, %shift_right_arithmetic3A_686 : vector<16xi32>
      %and3A_688 = arith.constant 3 : i32
      %and3A_689 = vector.broadcast %and3A_688 : i32 to vector<16xi32>
      %and3A_690 = arith.andi %shift_right_arithmetic3A_687, %and3A_689 : vector<16xi32>
      %add3A_691 = arith.addi %add3A_684, %and3A_690 : vector<16xi32>
      %swap3A_692 = arith.constant 1 : i32
      %swap3A_693 = arith.index_cast %swap3A_692 : i32 to index
      %swap3A_694 = arith.constant 80 : index
      %swap3A_695 = tpu.vector_load %arg6[%swap3A_693, %swap3A_694] {strides = array<i32>} : memref<4x128xi32, #tpu.memory_space<vmem>>, vector<16xi32>,
      tpu.vector_store %arg6[%swap3A_693, %swap3A_694], %add3A_691 {strides = array<i32>} : memref<4x128xi32, #tpu.memory_space<vmem>>, vector<16xi32>,
      %mul3A_696 = arith.constant 512 : i32
      %mul3A_697 = arith.muli %scan3A_26, %mul3A_696 : i32
      %add3A_698 = arith.addi %mul3A_5, %mul3A_697 : i32
      %add3A_699 = arith.constant 128 : i32
      %add3A_700 = arith.addi %add3A_698, %add3A_699 : i32
      %add3A_701 = arith.constant 96 : i32
      %add3A_702 = arith.addi %add3A_700, %add3A_701 : i32
      %and3A_703 = arith.constant 4095 : i32
      %and3A_704 = arith.andi %add3A_702, %and3A_703 : i32
      %sub3A_705 = arith.subi %add3A_702, %and3A_704 : i32
      %and3A_706 = arith.constant 4095 : i32
      %and3A_707 = arith.andi %add3A_702, %and3A_706 : i32
      %shift_right_arithmetic3A_708 = arith.constant 2 : i32
      %shift_right_arithmetic3A_709 = arith.shrsi %and3A_707, %shift_right_arithmetic3A_708 : i32
      %add3A_710 = arith.addi %sub3A_705, %shift_right_arithmetic3A_709 : i32
      %add3A_711 = vector.broadcast %add3A_710 : i32 to vector<16xi32>
      %add3A_712 = arith.addi %add3A_20, %add3A_711 : vector<16xi32>
      %shift_right_arithmetic3A_713 = arith.constant 7 : i32
      %shift_right_arithmetic3A_714 = vector.broadcast %shift_right_arithmetic3A_713 : i32 to vector<16xi32>
      %shift_right_arithmetic3A_715 = arith.shrsi %add3A_712, %shift_right_arithmetic3A_714 : vector<16xi32>
      %and3A_716 = arith.constant 127 : i32
      %and3A_717 = vector.broadcast %and3A_716 : i32 to vector<16xi32>
      %and3A_718 = arith.andi %add3A_712, %and3A_717 : vector<16xi32>
      %gather3A_719 = tpu.vector_load_idx %arg5[%shift_right_arithmetic3A_715, %and3A_718] : memref<224x128xi32, #tpu.memory_space<vmem>>[vector<16xi32>, vector<16xi32>], vector<16xi32>,
      %shift_right_arithmetic3A_720 = arith.constant 14 : i32
      %shift_right_arithmetic3A_721 = vector.broadcast %shift_right_arithmetic3A_720 : i32 to vector<16xi32>
      %shift_right_arithmetic3A_722 = arith.shrsi %gather3A_719, %shift_right_arithmetic3A_721 : vector<16xi32>
      %shift_left3A_723 = arith.constant 14 : i32
      %shift_left3A_724 = vector.broadcast %shift_left3A_723 : i32 to vector<16xi32>
      %shift_left3A_725 = arith.shli %shift_right_arithmetic3A_722, %shift_left3A_724 : vector<16xi32>
      %and3A_726 = arith.constant 4095 : i32
      %and3A_727 = vector.broadcast %and3A_726 : i32 to vector<16xi32>
      %and3A_728 = arith.andi %gather3A_719, %and3A_727 : vector<16xi32>
      %shift_left3A_729 = arith.constant 2 : i32
      %shift_left3A_730 = vector.broadcast %shift_left3A_729 : i32 to vector<16xi32>
      %shift_left3A_731 = arith.shli %and3A_728, %shift_left3A_730 : vector<16xi32>
      %add3A_732 = arith.addi %shift_left3A_725, %shift_left3A_731 : vector<16xi32>
      %shift_right_arithmetic3A_733 = arith.constant 12 : i32
      %shift_right_arithmetic3A_734 = vector.broadcast %shift_right_arithmetic3A_733 : i32 to vector<16xi32>
      %shift_right_arithmetic3A_735 = arith.shrsi %gather3A_719, %shift_right_arithmetic3A_734 : vector<16xi32>
      %and3A_736 = arith.constant 3 : i32
      %and3A_737 = vector.broadcast %and3A_736 : i32 to vector<16xi32>
      %and3A_738 = arith.andi %shift_right_arithmetic3A_735, %and3A_737 : vector<16xi32>
      %add3A_739 = arith.addi %add3A_732, %and3A_738 : vector<16xi32>
      %swap3A_740 = arith.constant 1 : i32
      %swap3A_741 = arith.index_cast %swap3A_740 : i32 to index
      %swap3A_742 = arith.constant 96 : index
      %swap3A_743 = tpu.vector_load %arg6[%swap3A_741, %swap3A_742] {strides = array<i32>} : memref<4x128xi32, #tpu.memory_space<vmem>>, vector<16xi32>,
      tpu.vector_store %arg6[%swap3A_741, %swap3A_742], %add3A_739 {strides = array<i32>} : memref<4x128xi32, #tpu.memory_space<vmem>>, vector<16xi32>,
      %mul3A_744 = arith.constant 512 : i32
      %mul3A_745 = arith.muli %scan3A_26, %mul3A_744 : i32
      %add3A_746 = arith.addi %mul3A_5, %mul3A_745 : i32
      %add3A_747 = arith.constant 128 : i32
      %add3A_748 = arith.addi %add3A_746, %add3A_747 : i32
      %add3A_749 = arith.constant 112 : i32
      %add3A_750 = arith.addi %add3A_748, %add3A_749 : i32
      %and3A_751 = arith.constant 4095 : i32
      %and3A_752 = arith.andi %add3A_750, %and3A_751 : i32
      %sub3A_753 = arith.subi %add3A_750, %and3A_752 : i32
      %and3A_754 = arith.constant 4095 : i32
      %and3A_755 = arith.andi %add3A_750, %and3A_754 : i32
      %shift_right_arithmetic3A_756 = arith.constant 2 : i32
      %shift_right_arithmetic3A_757 = arith.shrsi %and3A_755, %shift_right_arithmetic3A_756 : i32
      %add3A_758 = arith.addi %sub3A_753, %shift_right_arithmetic3A_757 : i32
      %add3A_759 = vector.broadcast %add3A_758 : i32 to vector<16xi32>
      %add3A_760 = arith.addi %add3A_20, %add3A_759 : vector<16xi32>
      %shift_right_arithmetic3A_761 = arith.constant 7 : i32
      %shift_right_arithmetic3A_762 = vector.broadcast %shift_right_arithmetic3A_761 : i32 to vector<16xi32>
      %shift_right_arithmetic3A_763 = arith.shrsi %add3A_760, %shift_right_arithmetic3A_762 : vector<16xi32>
      %and3A_764 = arith.constant 127 : i32
      %and3A_765 = vector.broadcast %and3A_764 : i32 to vector<16xi32>
      %and3A_766 = arith.andi %add3A_760, %and3A_765 : vector<16xi32>
      %gather3A_767 = tpu.vector_load_idx %arg5[%shift_right_arithmetic3A_763, %and3A_766] : memref<224x128xi32, #tpu.memory_space<vmem>>[vector<16xi32>, vector<16xi32>], vector<16xi32>,
      %shift_right_arithmetic3A_768 = arith.constant 14 : i32
      %shift_right_arithmetic3A_769 = vector.broadcast %shift_right_arithmetic3A_768 : i32 to vector<16xi32>
      %shift_right_arithmetic3A_770 = arith.shrsi %gather3A_767, %shift_right_arithmetic3A_769 : vector<16xi32>
      %shift_left3A_771 = arith.constant 14 : i32
      %shift_left3A_772 = vector.broadcast %shift_left3A_771 : i32 to vector<16xi32>
      %shift_left3A_773 = arith.shli %shift_right_arithmetic3A_770, %shift_left3A_772 : vector<16xi32>
      %and3A_774 = arith.constant 4095 : i32
      %and3A_775 = vector.broadcast %and3A_774 : i32 to vector<16xi32>
      %and3A_776 = arith.andi %gather3A_767, %and3A_775 : vector<16xi32>
      %shift_left3A_777 = arith.constant 2 : i32
      %shift_left3A_778 = vector.broadcast %shift_left3A_777 : i32 to vector<16xi32>
      %shift_left3A_779 = arith.shli %and3A_776, %shift_left3A_778 : vector<16xi32>
      %add3A_780 = arith.addi %shift_left3A_773, %shift_left3A_779 : vector<16xi32>
      %shift_right_arithmetic3A_781 = arith.constant 12 : i32
      %shift_right_arithmetic3A_782 = vector.broadcast %shift_right_arithmetic3A_781 : i32 to vector<16xi32>
      %shift_right_arithmetic3A_783 = arith.shrsi %gather3A_767, %shift_right_arithmetic3A_782 : vector<16xi32>
      %and3A_784 = arith.constant 3 : i32
      %and3A_785 = vector.broadcast %and3A_784 : i32 to vector<16xi32>
      %and3A_786 = arith.andi %shift_right_arithmetic3A_783, %and3A_785 : vector<16xi32>
      %add3A_787 = arith.addi %add3A_780, %and3A_786 : vector<16xi32>
      %swap3A_788 = arith.constant 1 : i32
      %swap3A_789 = arith.index_cast %swap3A_788 : i32 to index
      %swap3A_790 = arith.constant 112 : index
      %swap3A_791 = tpu.vector_load %arg6[%swap3A_789, %swap3A_790] {strides = array<i32>} : memref<4x128xi32, #tpu.memory_space<vmem>>, vector<16xi32>,
      tpu.vector_store %arg6[%swap3A_789, %swap3A_790], %add3A_787 {strides = array<i32>} : memref<4x128xi32, #tpu.memory_space<vmem>>, vector<16xi32>,
      %mul3A_792 = arith.constant 512 : i32
      %mul3A_793 = arith.muli %scan3A_26, %mul3A_792 : i32
      %add3A_794 = arith.addi %mul3A_5, %mul3A_793 : i32
      %add3A_795 = arith.constant 256 : i32
      %add3A_796 = arith.addi %add3A_794, %add3A_795 : i32
      %add3A_797 = arith.constant 0 : i32
      %add3A_798 = arith.addi %add3A_796, %add3A_797 : i32
      %and3A_799 = arith.constant 4095 : i32
      %and3A_800 = arith.andi %add3A_798, %and3A_799 : i32
      %sub3A_801 = arith.subi %add3A_798, %and3A_800 : i32
      %and3A_802 = arith.constant 4095 : i32
      %and3A_803 = arith.andi %add3A_798, %and3A_802 : i32
      %shift_right_arithmetic3A_804 = arith.constant 2 : i32
      %shift_right_arithmetic3A_805 = arith.shrsi %and3A_803, %shift_right_arithmetic3A_804 : i32
      %add3A_806 = arith.addi %sub3A_801, %shift_right_arithmetic3A_805 : i32
      %add3A_807 = vector.broadcast %add3A_806 : i32 to vector<16xi32>
      %add3A_808 = arith.addi %add3A_20, %add3A_807 : vector<16xi32>
      %shift_right_arithmetic3A_809 = arith.constant 7 : i32
      %shift_right_arithmetic3A_810 = vector.broadcast %shift_right_arithmetic3A_809 : i32 to vector<16xi32>
      %shift_right_arithmetic3A_811 = arith.shrsi %add3A_808, %shift_right_arithmetic3A_810 : vector<16xi32>
      %and3A_812 = arith.constant 127 : i32
      %and3A_813 = vector.broadcast %and3A_812 : i32 to vector<16xi32>
      %and3A_814 = arith.andi %add3A_808, %and3A_813 : vector<16xi32>
      %gather3A_815 = tpu.vector_load_idx %arg5[%shift_right_arithmetic3A_811, %and3A_814] : memref<224x128xi32, #tpu.memory_space<vmem>>[vector<16xi32>, vector<16xi32>], vector<16xi32>,
      %shift_right_arithmetic3A_816 = arith.constant 14 : i32
      %shift_right_arithmetic3A_817 = vector.broadcast %shift_right_arithmetic3A_816 : i32 to vector<16xi32>
      %shift_right_arithmetic3A_818 = arith.shrsi %gather3A_815, %shift_right_arithmetic3A_817 : vector<16xi32>
      %shift_left3A_819 = arith.constant 14 : i32
      %shift_left3A_820 = vector.broadcast %shift_left3A_819 : i32 to vector<16xi32>
      %shift_left3A_821 = arith.shli %shift_right_arithmetic3A_818, %shift_left3A_820 : vector<16xi32>
      %and3A_822 = arith.constant 4095 : i32
      %and3A_823 = vector.broadcast %and3A_822 : i32 to vector<16xi32>
      %and3A_824 = arith.andi %gather3A_815, %and3A_823 : vector<16xi32>
      %shift_left3A_825 = arith.constant 2 : i32
      %shift_left3A_826 = vector.broadcast %shift_left3A_825 : i32 to vector<16xi32>
      %shift_left3A_827 = arith.shli %and3A_824, %shift_left3A_826 : vector<16xi32>
      %add3A_828 = arith.addi %shift_left3A_821, %shift_left3A_827 : vector<16xi32>
      %shift_right_arithmetic3A_829 = arith.constant 12 : i32
      %shift_right_arithmetic3A_830 = vector.broadcast %shift_right_arithmetic3A_829 : i32 to vector<16xi32>
      %shift_right_arithmetic3A_831 = arith.shrsi %gather3A_815, %shift_right_arithmetic3A_830 : vector<16xi32>
      %and3A_832 = arith.constant 3 : i32
      %and3A_833 = vector.broadcast %and3A_832 : i32 to vector<16xi32>
      %and3A_834 = arith.andi %shift_right_arithmetic3A_831, %and3A_833 : vector<16xi32>
      %add3A_835 = arith.addi %add3A_828, %and3A_834 : vector<16xi32>
      %swap3A_836 = arith.constant 2 : i32
      %swap3A_837 = arith.index_cast %swap3A_836 : i32 to index
      %swap3A_838 = arith.constant 0 : index
      %swap3A_839 = tpu.vector_load %arg6[%swap3A_837, %swap3A_838] {strides = array<i32>} : memref<4x128xi32, #tpu.memory_space<vmem>>, vector<16xi32>,
      tpu.vector_store %arg6[%swap3A_837, %swap3A_838], %add3A_835 {strides = array<i32>} : memref<4x128xi32, #tpu.memory_space<vmem>>, vector<16xi32>,
      %mul3A_840 = arith.constant 512 : i32
      %mul3A_841 = arith.muli %scan3A_26, %mul3A_840 : i32
      %add3A_842 = arith.addi %mul3A_5, %mul3A_841 : i32
      %add3A_843 = arith.constant 256 : i32
      %add3A_844 = arith.addi %add3A_842, %add3A_843 : i32
      %add3A_845 = arith.constant 16 : i32
      %add3A_846 = arith.addi %add3A_844, %add3A_845 : i32
      %and3A_847 = arith.constant 4095 : i32
      %and3A_848 = arith.andi %add3A_846, %and3A_847 : i32
      %sub3A_849 = arith.subi %add3A_846, %and3A_848 : i32
      %and3A_850 = arith.constant 4095 : i32
      %and3A_851 = arith.andi %add3A_846, %and3A_850 : i32
      %shift_right_arithmetic3A_852 = arith.constant 2 : i32
      %shift_right_arithmetic3A_853 = arith.shrsi %and3A_851, %shift_right_arithmetic3A_852 : i32
      %add3A_854 = arith.addi %sub3A_849, %shift_right_arithmetic3A_853 : i32
      %add3A_855 = vector.broadcast %add3A_854 : i32 to vector<16xi32>
      %add3A_856 = arith.addi %add3A_20, %add3A_855 : vector<16xi32>
      %shift_right_arithmetic3A_857 = arith.constant 7 : i32
      %shift_right_arithmetic3A_858 = vector.broadcast %shift_right_arithmetic3A_857 : i32 to vector<16xi32>
      %shift_right_arithmetic3A_859 = arith.shrsi %add3A_856, %shift_right_arithmetic3A_858 : vector<16xi32>
      %and3A_860 = arith.constant 127 : i32
      %and3A_861 = vector.broadcast %and3A_860 : i32 to vector<16xi32>
      %and3A_862 = arith.andi %add3A_856, %and3A_861 : vector<16xi32>
      %gather3A_863 = tpu.vector_load_idx %arg5[%shift_right_arithmetic3A_859, %and3A_862] : memref<224x128xi32, #tpu.memory_space<vmem>>[vector<16xi32>, vector<16xi32>], vector<16xi32>,
      %shift_right_arithmetic3A_864 = arith.constant 14 : i32
      %shift_right_arithmetic3A_865 = vector.broadcast %shift_right_arithmetic3A_864 : i32 to vector<16xi32>
      %shift_right_arithmetic3A_866 = arith.shrsi %gather3A_863, %shift_right_arithmetic3A_865 : vector<16xi32>
      %shift_left3A_867 = arith.constant 14 : i32
      %shift_left3A_868 = vector.broadcast %shift_left3A_867 : i32 to vector<16xi32>
      %shift_left3A_869 = arith.shli %shift_right_arithmetic3A_866, %shift_left3A_868 : vector<16xi32>
      %and3A_870 = arith.constant 4095 : i32
      %and3A_871 = vector.broadcast %and3A_870 : i32 to vector<16xi32>
      %and3A_872 = arith.andi %gather3A_863, %and3A_871 : vector<16xi32>
      %shift_left3A_873 = arith.constant 2 : i32
      %shift_left3A_874 = vector.broadcast %shift_left3A_873 : i32 to vector<16xi32>
      %shift_left3A_875 = arith.shli %and3A_872, %shift_left3A_874 : vector<16xi32>
      %add3A_876 = arith.addi %shift_left3A_869, %shift_left3A_875 : vector<16xi32>
      %shift_right_arithmetic3A_877 = arith.constant 12 : i32
      %shift_right_arithmetic3A_878 = vector.broadcast %shift_right_arithmetic3A_877 : i32 to vector<16xi32>
      %shift_right_arithmetic3A_879 = arith.shrsi %gather3A_863, %shift_right_arithmetic3A_878 : vector<16xi32>
      %and3A_880 = arith.constant 3 : i32
      %and3A_881 = vector.broadcast %and3A_880 : i32 to vector<16xi32>
      %and3A_882 = arith.andi %shift_right_arithmetic3A_879, %and3A_881 : vector<16xi32>
      %add3A_883 = arith.addi %add3A_876, %and3A_882 : vector<16xi32>
      %swap3A_884 = arith.constant 2 : i32
      %swap3A_885 = arith.index_cast %swap3A_884 : i32 to index
      %swap3A_886 = arith.constant 16 : index
      %swap3A_887 = tpu.vector_load %arg6[%swap3A_885, %swap3A_886] {strides = array<i32>} : memref<4x128xi32, #tpu.memory_space<vmem>>, vector<16xi32>,
      tpu.vector_store %arg6[%swap3A_885, %swap3A_886], %add3A_883 {strides = array<i32>} : memref<4x128xi32, #tpu.memory_space<vmem>>, vector<16xi32>,
      %mul3A_888 = arith.constant 512 : i32
      %mul3A_889 = arith.muli %scan3A_26, %mul3A_888 : i32
      %add3A_890 = arith.addi %mul3A_5, %mul3A_889 : i32
      %add3A_891 = arith.constant 256 : i32
      %add3A_892 = arith.addi %add3A_890, %add3A_891 : i32
      %add3A_893 = arith.constant 32 : i32
      %add3A_894 = arith.addi %add3A_892, %add3A_893 : i32
      %and3A_895 = arith.constant 4095 : i32
      %and3A_896 = arith.andi %add3A_894, %and3A_895 : i32
      %sub3A_897 = arith.subi %add3A_894, %and3A_896 : i32
      %and3A_898 = arith.constant 4095 : i32
      %and3A_899 = arith.andi %add3A_894, %and3A_898 : i32
      %shift_right_arithmetic3A_900 = arith.constant 2 : i32
      %shift_right_arithmetic3A_901 = arith.shrsi %and3A_899, %shift_right_arithmetic3A_900 : i32
      %add3A_902 = arith.addi %sub3A_897, %shift_right_arithmetic3A_901 : i32
      %add3A_903 = vector.broadcast %add3A_902 : i32 to vector<16xi32>
      %add3A_904 = arith.addi %add3A_20, %add3A_903 : vector<16xi32>
      %shift_right_arithmetic3A_905 = arith.constant 7 : i32
      %shift_right_arithmetic3A_906 = vector.broadcast %shift_right_arithmetic3A_905 : i32 to vector<16xi32>
      %shift_right_arithmetic3A_907 = arith.shrsi %add3A_904, %shift_right_arithmetic3A_906 : vector<16xi32>
      %and3A_908 = arith.constant 127 : i32
      %and3A_909 = vector.broadcast %and3A_908 : i32 to vector<16xi32>
      %and3A_910 = arith.andi %add3A_904, %and3A_909 : vector<16xi32>
      %gather3A_911 = tpu.vector_load_idx %arg5[%shift_right_arithmetic3A_907, %and3A_910] : memref<224x128xi32, #tpu.memory_space<vmem>>[vector<16xi32>, vector<16xi32>], vector<16xi32>,
      %shift_right_arithmetic3A_912 = arith.constant 14 : i32
      %shift_right_arithmetic3A_913 = vector.broadcast %shift_right_arithmetic3A_912 : i32 to vector<16xi32>
      %shift_right_arithmetic3A_914 = arith.shrsi %gather3A_911, %shift_right_arithmetic3A_913 : vector<16xi32>
      %shift_left3A_915 = arith.constant 14 : i32
      %shift_left3A_916 = vector.broadcast %shift_left3A_915 : i32 to vector<16xi32>
      %shift_left3A_917 = arith.shli %shift_right_arithmetic3A_914, %shift_left3A_916 : vector<16xi32>
      %and3A_918 = arith.constant 4095 : i32
      %and3A_919 = vector.broadcast %and3A_918 : i32 to vector<16xi32>
      %and3A_920 = arith.andi %gather3A_911, %and3A_919 : vector<16xi32>
      %shift_left3A_921 = arith.constant 2 : i32
      %shift_left3A_922 = vector.broadcast %shift_left3A_921 : i32 to vector<16xi32>
      %shift_left3A_923 = arith.shli %and3A_920, %shift_left3A_922 : vector<16xi32>
      %add3A_924 = arith.addi %shift_left3A_917, %shift_left3A_923 : vector<16xi32>
      %shift_right_arithmetic3A_925 = arith.constant 12 : i32
      %shift_right_arithmetic3A_926 = vector.broadcast %shift_right_arithmetic3A_925 : i32 to vector<16xi32>
      %shift_right_arithmetic3A_927 = arith.shrsi %gather3A_911, %shift_right_arithmetic3A_926 : vector<16xi32>
      %and3A_928 = arith.constant 3 : i32
      %and3A_929 = vector.broadcast %and3A_928 : i32 to vector<16xi32>
      %and3A_930 = arith.andi %shift_right_arithmetic3A_927, %and3A_929 : vector<16xi32>
      %add3A_931 = arith.addi %add3A_924, %and3A_930 : vector<16xi32>
      %swap3A_932 = arith.constant 2 : i32
      %swap3A_933 = arith.index_cast %swap3A_932 : i32 to index
      %swap3A_934 = arith.constant 32 : index
      %swap3A_935 = tpu.vector_load %arg6[%swap3A_933, %swap3A_934] {strides = array<i32>} : memref<4x128xi32, #tpu.memory_space<vmem>>, vector<16xi32>,
      tpu.vector_store %arg6[%swap3A_933, %swap3A_934], %add3A_931 {strides = array<i32>} : memref<4x128xi32, #tpu.memory_space<vmem>>, vector<16xi32>,
      %mul3A_936 = arith.constant 512 : i32
      %mul3A_937 = arith.muli %scan3A_26, %mul3A_936 : i32
      %add3A_938 = arith.addi %mul3A_5, %mul3A_937 : i32
      %add3A_939 = arith.constant 256 : i32
      %add3A_940 = arith.addi %add3A_938, %add3A_939 : i32
      %add3A_941 = arith.constant 48 : i32
      %add3A_942 = arith.addi %add3A_940, %add3A_941 : i32
      %and3A_943 = arith.constant 4095 : i32
      %and3A_944 = arith.andi %add3A_942, %and3A_943 : i32
      %sub3A_945 = arith.subi %add3A_942, %and3A_944 : i32
      %and3A_946 = arith.constant 4095 : i32
      %and3A_947 = arith.andi %add3A_942, %and3A_946 : i32
      %shift_right_arithmetic3A_948 = arith.constant 2 : i32
      %shift_right_arithmetic3A_949 = arith.shrsi %and3A_947, %shift_right_arithmetic3A_948 : i32
      %add3A_950 = arith.addi %sub3A_945, %shift_right_arithmetic3A_949 : i32
      %add3A_951 = vector.broadcast %add3A_950 : i32 to vector<16xi32>
      %add3A_952 = arith.addi %add3A_20, %add3A_951 : vector<16xi32>
      %shift_right_arithmetic3A_953 = arith.constant 7 : i32
      %shift_right_arithmetic3A_954 = vector.broadcast %shift_right_arithmetic3A_953 : i32 to vector<16xi32>
      %shift_right_arithmetic3A_955 = arith.shrsi %add3A_952, %shift_right_arithmetic3A_954 : vector<16xi32>
      %and3A_956 = arith.constant 127 : i32
      %and3A_957 = vector.broadcast %and3A_956 : i32 to vector<16xi32>
      %and3A_958 = arith.andi %add3A_952, %and3A_957 : vector<16xi32>
      %gather3A_959 = tpu.vector_load_idx %arg5[%shift_right_arithmetic3A_955, %and3A_958] : memref<224x128xi32, #tpu.memory_space<vmem>>[vector<16xi32>, vector<16xi32>], vector<16xi32>,
      %shift_right_arithmetic3A_960 = arith.constant 14 : i32
      %shift_right_arithmetic3A_961 = vector.broadcast %shift_right_arithmetic3A_960 : i32 to vector<16xi32>
      %shift_right_arithmetic3A_962 = arith.shrsi %gather3A_959, %shift_right_arithmetic3A_961 : vector<16xi32>
      %shift_left3A_963 = arith.constant 14 : i32
      %shift_left3A_964 = vector.broadcast %shift_left3A_963 : i32 to vector<16xi32>
      %shift_left3A_965 = arith.shli %shift_right_arithmetic3A_962, %shift_left3A_964 : vector<16xi32>
      %and3A_966 = arith.constant 4095 : i32
      %and3A_967 = vector.broadcast %and3A_966 : i32 to vector<16xi32>
      %and3A_968 = arith.andi %gather3A_959, %and3A_967 : vector<16xi32>
      %shift_left3A_969 = arith.constant 2 : i32
      %shift_left3A_970 = vector.broadcast %shift_left3A_969 : i32 to vector<16xi32>
      %shift_left3A_971 = arith.shli %and3A_968, %shift_left3A_970 : vector<16xi32>
      %add3A_972 = arith.addi %shift_left3A_965, %shift_left3A_971 : vector<16xi32>
      %shift_right_arithmetic3A_973 = arith.constant 12 : i32
      %shift_right_arithmetic3A_974 = vector.broadcast %shift_right_arithmetic3A_973 : i32 to vector<16xi32>
      %shift_right_arithmetic3A_975 = arith.shrsi %gather3A_959, %shift_right_arithmetic3A_974 : vector<16xi32>
      %and3A_976 = arith.constant 3 : i32
      %and3A_977 = vector.broadcast %and3A_976 : i32 to vector<16xi32>
      %and3A_978 = arith.andi %shift_right_arithmetic3A_975, %and3A_977 : vector<16xi32>
      %add3A_979 = arith.addi %add3A_972, %and3A_978 : vector<16xi32>
      %swap3A_980 = arith.constant 2 : i32
      %swap3A_981 = arith.index_cast %swap3A_980 : i32 to index
      %swap3A_982 = arith.constant 48 : index
      %swap3A_983 = tpu.vector_load %arg6[%swap3A_981, %swap3A_982] {strides = array<i32>} : memref<4x128xi32, #tpu.memory_space<vmem>>, vector<16xi32>,
      tpu.vector_store %arg6[%swap3A_981, %swap3A_982], %add3A_979 {strides = array<i32>} : memref<4x128xi32, #tpu.memory_space<vmem>>, vector<16xi32>,
      %mul3A_984 = arith.constant 512 : i32
      %mul3A_985 = arith.muli %scan3A_26, %mul3A_984 : i32
      %add3A_986 = arith.addi %mul3A_5, %mul3A_985 : i32
      %add3A_987 = arith.constant 256 : i32
      %add3A_988 = arith.addi %add3A_986, %add3A_987 : i32
      %add3A_989 = arith.constant 64 : i32
      %add3A_990 = arith.addi %add3A_988, %add3A_989 : i32
      %and3A_991 = arith.constant 4095 : i32
      %and3A_992 = arith.andi %add3A_990, %and3A_991 : i32
      %sub3A_993 = arith.subi %add3A_990, %and3A_992 : i32
      %and3A_994 = arith.constant 4095 : i32
      %and3A_995 = arith.andi %add3A_990, %and3A_994 : i32
      %shift_right_arithmetic3A_996 = arith.constant 2 : i32
      %shift_right_arithmetic3A_997 = arith.shrsi %and3A_995, %shift_right_arithmetic3A_996 : i32
      %add3A_998 = arith.addi %sub3A_993, %shift_right_arithmetic3A_997 : i32
      %add3A_999 = vector.broadcast %add3A_998 : i32 to vector<16xi32>
      %add3A_1000 = arith.addi %add3A_20, %add3A_999 : vector<16xi32>
      %shift_right_arithmetic3A_1001 = arith.constant 7 : i32
      %shift_right_arithmetic3A_1002 = vector.broadcast %shift_right_arithmetic3A_1001 : i32 to vector<16xi32>
      %shift_right_arithmetic3A_1003 = arith.shrsi %add3A_1000, %shift_right_arithmetic3A_1002 : vector<16xi32>
      %and3A_1004 = arith.constant 127 : i32
      %and3A_1005 = vector.broadcast %and3A_1004 : i32 to vector<16xi32>
      %and3A_1006 = arith.andi %add3A_1000, %and3A_1005 : vector<16xi32>
      %gather3A_1007 = tpu.vector_load_idx %arg5[%shift_right_arithmetic3A_1003, %and3A_1006] : memref<224x128xi32, #tpu.memory_space<vmem>>[vector<16xi32>, vector<16xi32>], vector<16xi32>,
      %shift_right_arithmetic3A_1008 = arith.constant 14 : i32
      %shift_right_arithmetic3A_1009 = vector.broadcast %shift_right_arithmetic3A_1008 : i32 to vector<16xi32>
      %shift_right_arithmetic3A_1010 = arith.shrsi %gather3A_1007, %shift_right_arithmetic3A_1009 : vector<16xi32>
      %shift_left3A_1011 = arith.constant 14 : i32
      %shift_left3A_1012 = vector.broadcast %shift_left3A_1011 : i32 to vector<16xi32>
      %shift_left3A_1013 = arith.shli %shift_right_arithmetic3A_1010, %shift_left3A_1012 : vector<16xi32>
      %and3A_1014 = arith.constant 4095 : i32
      %and3A_1015 = vector.broadcast %and3A_1014 : i32 to vector<16xi32>
      %and3A_1016 = arith.andi %gather3A_1007, %and3A_1015 : vector<16xi32>
      %shift_left3A_1017 = arith.constant 2 : i32
      %shift_left3A_1018 = vector.broadcast %shift_left3A_1017 : i32 to vector<16xi32>
      %shift_left3A_1019 = arith.shli %and3A_1016, %shift_left3A_1018 : vector<16xi32>
      %add3A_1020 = arith.addi %shift_left3A_1013, %shift_left3A_1019 : vector<16xi32>
      %shift_right_arithmetic3A_1021 = arith.constant 12 : i32
      %shift_right_arithmetic3A_1022 = vector.broadcast %shift_right_arithmetic3A_1021 : i32 to vector<16xi32>
      %shift_right_arithmetic3A_1023 = arith.shrsi %gather3A_1007, %shift_right_arithmetic3A_1022 : vector<16xi32>
      %and3A_1024 = arith.constant 3 : i32
      %and3A_1025 = vector.broadcast %and3A_1024 : i32 to vector<16xi32>
      %and3A_1026 = arith.andi %shift_right_arithmetic3A_1023, %and3A_1025 : vector<16xi32>
      %add3A_1027 = arith.addi %add3A_1020, %and3A_1026 : vector<16xi32>
      %swap3A_1028 = arith.constant 2 : i32
      %swap3A_1029 = arith.index_cast %swap3A_1028 : i32 to index
      %swap3A_1030 = arith.constant 64 : index
      %swap3A_1031 = tpu.vector_load %arg6[%swap3A_1029, %swap3A_1030] {strides = array<i32>} : memref<4x128xi32, #tpu.memory_space<vmem>>, vector<16xi32>,
      tpu.vector_store %arg6[%swap3A_1029, %swap3A_1030], %add3A_1027 {strides = array<i32>} : memref<4x128xi32, #tpu.memory_space<vmem>>, vector<16xi32>,
      %mul3A_1032 = arith.constant 512 : i32
      %mul3A_1033 = arith.muli %scan3A_26, %mul3A_1032 : i32
      %add3A_1034 = arith.addi %mul3A_5, %mul3A_1033 : i32
      %add3A_1035 = arith.constant 256 : i32
      %add3A_1036 = arith.addi %add3A_1034, %add3A_1035 : i32
      %add3A_1037 = arith.constant 80 : i32
      %add3A_1038 = arith.addi %add3A_1036, %add3A_1037 : i32
      %and3A_1039 = arith.constant 4095 : i32
      %and3A_1040 = arith.andi %add3A_1038, %and3A_1039 : i32
      %sub3A_1041 = arith.subi %add3A_1038, %and3A_1040 : i32
      %and3A_1042 = arith.constant 4095 : i32
      %and3A_1043 = arith.andi %add3A_1038, %and3A_1042 : i32
      %shift_right_arithmetic3A_1044 = arith.constant 2 : i32
      %shift_right_arithmetic3A_1045 = arith.shrsi %and3A_1043, %shift_right_arithmetic3A_1044 : i32
      %add3A_1046 = arith.addi %sub3A_1041, %shift_right_arithmetic3A_1045 : i32
      %add3A_1047 = vector.broadcast %add3A_1046 : i32 to vector<16xi32>
      %add3A_1048 = arith.addi %add3A_20, %add3A_1047 : vector<16xi32>
      %shift_right_arithmetic3A_1049 = arith.constant 7 : i32
      %shift_right_arithmetic3A_1050 = vector.broadcast %shift_right_arithmetic3A_1049 : i32 to vector<16xi32>
      %shift_right_arithmetic3A_1051 = arith.shrsi %add3A_1048, %shift_right_arithmetic3A_1050 : vector<16xi32>
      %and3A_1052 = arith.constant 127 : i32
      %and3A_1053 = vector.broadcast %and3A_1052 : i32 to vector<16xi32>
      %and3A_1054 = arith.andi %add3A_1048, %and3A_1053 : vector<16xi32>
      %gather3A_1055 = tpu.vector_load_idx %arg5[%shift_right_arithmetic3A_1051, %and3A_1054] : memref<224x128xi32, #tpu.memory_space<vmem>>[vector<16xi32>, vector<16xi32>], vector<16xi32>,
      %shift_right_arithmetic3A_1056 = arith.constant 14 : i32
      %shift_right_arithmetic3A_1057 = vector.broadcast %shift_right_arithmetic3A_1056 : i32 to vector<16xi32>
      %shift_right_arithmetic3A_1058 = arith.shrsi %gather3A_1055, %shift_right_arithmetic3A_1057 : vector<16xi32>
      %shift_left3A_1059 = arith.constant 14 : i32
      %shift_left3A_1060 = vector.broadcast %shift_left3A_1059 : i32 to vector<16xi32>
      %shift_left3A_1061 = arith.shli %shift_right_arithmetic3A_1058, %shift_left3A_1060 : vector<16xi32>
      %and3A_1062 = arith.constant 4095 : i32
      %and3A_1063 = vector.broadcast %and3A_1062 : i32 to vector<16xi32>
      %and3A_1064 = arith.andi %gather3A_1055, %and3A_1063 : vector<16xi32>
      %shift_left3A_1065 = arith.constant 2 : i32
      %shift_left3A_1066 = vector.broadcast %shift_left3A_1065 : i32 to vector<16xi32>
      %shift_left3A_1067 = arith.shli %and3A_1064, %shift_left3A_1066 : vector<16xi32>
      %add3A_1068 = arith.addi %shift_left3A_1061, %shift_left3A_1067 : vector<16xi32>
      %shift_right_arithmetic3A_1069 = arith.constant 12 : i32
      %shift_right_arithmetic3A_1070 = vector.broadcast %shift_right_arithmetic3A_1069 : i32 to vector<16xi32>
      %shift_right_arithmetic3A_1071 = arith.shrsi %gather3A_1055, %shift_right_arithmetic3A_1070 : vector<16xi32>
      %and3A_1072 = arith.constant 3 : i32
      %and3A_1073 = vector.broadcast %and3A_1072 : i32 to vector<16xi32>
      %and3A_1074 = arith.andi %shift_right_arithmetic3A_1071, %and3A_1073 : vector<16xi32>
      %add3A_1075 = arith.addi %add3A_1068, %and3A_1074 : vector<16xi32>
      %swap3A_1076 = arith.constant 2 : i32
      %swap3A_1077 = arith.index_cast %swap3A_1076 : i32 to index
      %swap3A_1078 = arith.constant 80 : index
      %swap3A_1079 = tpu.vector_load %arg6[%swap3A_1077, %swap3A_1078] {strides = array<i32>} : memref<4x128xi32, #tpu.memory_space<vmem>>, vector<16xi32>,
      tpu.vector_store %arg6[%swap3A_1077, %swap3A_1078], %add3A_1075 {strides = array<i32>} : memref<4x128xi32, #tpu.memory_space<vmem>>, vector<16xi32>,
      %mul3A_1080 = arith.constant 512 : i32
      %mul3A_1081 = arith.muli %scan3A_26, %mul3A_1080 : i32
      %add3A_1082 = arith.addi %mul3A_5, %mul3A_1081 : i32
      %add3A_1083 = arith.constant 256 : i32
      %add3A_1084 = arith.addi %add3A_1082, %add3A_1083 : i32
      %add3A_1085 = arith.constant 96 : i32
      %add3A_1086 = arith.addi %add3A_1084, %add3A_1085 : i32
      %and3A_1087 = arith.constant 4095 : i32
      %and3A_1088 = arith.andi %add3A_1086, %and3A_1087 : i32
      %sub3A_1089 = arith.subi %add3A_1086, %and3A_1088 : i32
      %and3A_1090 = arith.constant 4095 : i32
      %and3A_1091 = arith.andi %add3A_1086, %and3A_1090 : i32
      %shift_right_arithmetic3A_1092 = arith.constant 2 : i32
      %shift_right_arithmetic3A_1093 = arith.shrsi %and3A_1091, %shift_right_arithmetic3A_1092 : i32
      %add3A_1094 = arith.addi %sub3A_1089, %shift_right_arithmetic3A_1093 : i32
      %add3A_1095 = vector.broadcast %add3A_1094 : i32 to vector<16xi32>
      %add3A_1096 = arith.addi %add3A_20, %add3A_1095 : vector<16xi32>
      %shift_right_arithmetic3A_1097 = arith.constant 7 : i32
      %shift_right_arithmetic3A_1098 = vector.broadcast %shift_right_arithmetic3A_1097 : i32 to vector<16xi32>
      %shift_right_arithmetic3A_1099 = arith.shrsi %add3A_1096, %shift_right_arithmetic3A_1098 : vector<16xi32>
      %and3A_1100 = arith.constant 127 : i32
      %and3A_1101 = vector.broadcast %and3A_1100 : i32 to vector<16xi32>
      %and3A_1102 = arith.andi %add3A_1096, %and3A_1101 : vector<16xi32>
      %gather3A_1103 = tpu.vector_load_idx %arg5[%shift_right_arithmetic3A_1099, %and3A_1102] : memref<224x128xi32, #tpu.memory_space<vmem>>[vector<16xi32>, vector<16xi32>], vector<16xi32>,
      %shift_right_arithmetic3A_1104 = arith.constant 14 : i32
      %shift_right_arithmetic3A_1105 = vector.broadcast %shift_right_arithmetic3A_1104 : i32 to vector<16xi32>
      %shift_right_arithmetic3A_1106 = arith.shrsi %gather3A_1103, %shift_right_arithmetic3A_1105 : vector<16xi32>
      %shift_left3A_1107 = arith.constant 14 : i32
      %shift_left3A_1108 = vector.broadcast %shift_left3A_1107 : i32 to vector<16xi32>
      %shift_left3A_1109 = arith.shli %shift_right_arithmetic3A_1106, %shift_left3A_1108 : vector<16xi32>
      %and3A_1110 = arith.constant 4095 : i32
      %and3A_1111 = vector.broadcast %and3A_1110 : i32 to vector<16xi32>
      %and3A_1112 = arith.andi %gather3A_1103, %and3A_1111 : vector<16xi32>
      %shift_left3A_1113 = arith.constant 2 : i32
      %shift_left3A_1114 = vector.broadcast %shift_left3A_1113 : i32 to vector<16xi32>
      %shift_left3A_1115 = arith.shli %and3A_1112, %shift_left3A_1114 : vector<16xi32>
      %add3A_1116 = arith.addi %shift_left3A_1109, %shift_left3A_1115 : vector<16xi32>
      %shift_right_arithmetic3A_1117 = arith.constant 12 : i32
      %shift_right_arithmetic3A_1118 = vector.broadcast %shift_right_arithmetic3A_1117 : i32 to vector<16xi32>
      %shift_right_arithmetic3A_1119 = arith.shrsi %gather3A_1103, %shift_right_arithmetic3A_1118 : vector<16xi32>
      %and3A_1120 = arith.constant 3 : i32
      %and3A_1121 = vector.broadcast %and3A_1120 : i32 to vector<16xi32>
      %and3A_1122 = arith.andi %shift_right_arithmetic3A_1119, %and3A_1121 : vector<16xi32>
      %add3A_1123 = arith.addi %add3A_1116, %and3A_1122 : vector<16xi32>
      %swap3A_1124 = arith.constant 2 : i32
      %swap3A_1125 = arith.index_cast %swap3A_1124 : i32 to index
      %swap3A_1126 = arith.constant 96 : index
      %swap3A_1127 = tpu.vector_load %arg6[%swap3A_1125, %swap3A_1126] {strides = array<i32>} : memref<4x128xi32, #tpu.memory_space<vmem>>, vector<16xi32>,
      tpu.vector_store %arg6[%swap3A_1125, %swap3A_1126], %add3A_1123 {strides = array<i32>} : memref<4x128xi32, #tpu.memory_space<vmem>>, vector<16xi32>,
      %mul3A_1128 = arith.constant 512 : i32
      %mul3A_1129 = arith.muli %scan3A_26, %mul3A_1128 : i32
      %add3A_1130 = arith.addi %mul3A_5, %mul3A_1129 : i32
      %add3A_1131 = arith.constant 256 : i32
      %add3A_1132 = arith.addi %add3A_1130, %add3A_1131 : i32
      %add3A_1133 = arith.constant 112 : i32
      %add3A_1134 = arith.addi %add3A_1132, %add3A_1133 : i32
      %and3A_1135 = arith.constant 4095 : i32
      %and3A_1136 = arith.andi %add3A_1134, %and3A_1135 : i32
      %sub3A_1137 = arith.subi %add3A_1134, %and3A_1136 : i32
      %and3A_1138 = arith.constant 4095 : i32
      %and3A_1139 = arith.andi %add3A_1134, %and3A_1138 : i32
      %shift_right_arithmetic3A_1140 = arith.constant 2 : i32
      %shift_right_arithmetic3A_1141 = arith.shrsi %and3A_1139, %shift_right_arithmetic3A_1140 : i32
      %add3A_1142 = arith.addi %sub3A_1137, %shift_right_arithmetic3A_1141 : i32
      %add3A_1143 = vector.broadcast %add3A_1142 : i32 to vector<16xi32>
      %add3A_1144 = arith.addi %add3A_20, %add3A_1143 : vector<16xi32>
      %shift_right_arithmetic3A_1145 = arith.constant 7 : i32
      %shift_right_arithmetic3A_1146 = vector.broadcast %shift_right_arithmetic3A_1145 : i32 to vector<16xi32>
      %shift_right_arithmetic3A_1147 = arith.shrsi %add3A_1144, %shift_right_arithmetic3A_1146 : vector<16xi32>
      %and3A_1148 = arith.constant 127 : i32
      %and3A_1149 = vector.broadcast %and3A_1148 : i32 to vector<16xi32>
      %and3A_1150 = arith.andi %add3A_1144, %and3A_1149 : vector<16xi32>
      %gather3A_1151 = tpu.vector_load_idx %arg5[%shift_right_arithmetic3A_1147, %and3A_1150] : memref<224x128xi32, #tpu.memory_space<vmem>>[vector<16xi32>, vector<16xi32>], vector<16xi32>,
      %shift_right_arithmetic3A_1152 = arith.constant 14 : i32
      %shift_right_arithmetic3A_1153 = vector.broadcast %shift_right_arithmetic3A_1152 : i32 to vector<16xi32>
      %shift_right_arithmetic3A_1154 = arith.shrsi %gather3A_1151, %shift_right_arithmetic3A_1153 : vector<16xi32>
      %shift_left3A_1155 = arith.constant 14 : i32
      %shift_left3A_1156 = vector.broadcast %shift_left3A_1155 : i32 to vector<16xi32>
      %shift_left3A_1157 = arith.shli %shift_right_arithmetic3A_1154, %shift_left3A_1156 : vector<16xi32>
      %and3A_1158 = arith.constant 4095 : i32
      %and3A_1159 = vector.broadcast %and3A_1158 : i32 to vector<16xi32>
      %and3A_1160 = arith.andi %gather3A_1151, %and3A_1159 : vector<16xi32>
      %shift_left3A_1161 = arith.constant 2 : i32
      %shift_left3A_1162 = vector.broadcast %shift_left3A_1161 : i32 to vector<16xi32>
      %shift_left3A_1163 = arith.shli %and3A_1160, %shift_left3A_1162 : vector<16xi32>
      %add3A_1164 = arith.addi %shift_left3A_1157, %shift_left3A_1163 : vector<16xi32>
      %shift_right_arithmetic3A_1165 = arith.constant 12 : i32
      %shift_right_arithmetic3A_1166 = vector.broadcast %shift_right_arithmetic3A_1165 : i32 to vector<16xi32>
      %shift_right_arithmetic3A_1167 = arith.shrsi %gather3A_1151, %shift_right_arithmetic3A_1166 : vector<16xi32>
      %and3A_1168 = arith.constant 3 : i32
      %and3A_1169 = vector.broadcast %and3A_1168 : i32 to vector<16xi32>
      %and3A_1170 = arith.andi %shift_right_arithmetic3A_1167, %and3A_1169 : vector<16xi32>
      %add3A_1171 = arith.addi %add3A_1164, %and3A_1170 : vector<16xi32>
      %swap3A_1172 = arith.constant 2 : i32
      %swap3A_1173 = arith.index_cast %swap3A_1172 : i32 to index
      %swap3A_1174 = arith.constant 112 : index
      %swap3A_1175 = tpu.vector_load %arg6[%swap3A_1173, %swap3A_1174] {strides = array<i32>} : memref<4x128xi32, #tpu.memory_space<vmem>>, vector<16xi32>,
      tpu.vector_store %arg6[%swap3A_1173, %swap3A_1174], %add3A_1171 {strides = array<i32>} : memref<4x128xi32, #tpu.memory_space<vmem>>, vector<16xi32>,
      %mul3A_1176 = arith.constant 512 : i32
      %mul3A_1177 = arith.muli %scan3A_26, %mul3A_1176 : i32
      %add3A_1178 = arith.addi %mul3A_5, %mul3A_1177 : i32
      %add3A_1179 = arith.constant 384 : i32
      %add3A_1180 = arith.addi %add3A_1178, %add3A_1179 : i32
      %add3A_1181 = arith.constant 0 : i32
      %add3A_1182 = arith.addi %add3A_1180, %add3A_1181 : i32
      %and3A_1183 = arith.constant 4095 : i32
      %and3A_1184 = arith.andi %add3A_1182, %and3A_1183 : i32
      %sub3A_1185 = arith.subi %add3A_1182, %and3A_1184 : i32
      %and3A_1186 = arith.constant 4095 : i32
      %and3A_1187 = arith.andi %add3A_1182, %and3A_1186 : i32
      %shift_right_arithmetic3A_1188 = arith.constant 2 : i32
      %shift_right_arithmetic3A_1189 = arith.shrsi %and3A_1187, %shift_right_arithmetic3A_1188 : i32
      %add3A_1190 = arith.addi %sub3A_1185, %shift_right_arithmetic3A_1189 : i32
      %add3A_1191 = vector.broadcast %add3A_1190 : i32 to vector<16xi32>
      %add3A_1192 = arith.addi %add3A_20, %add3A_1191 : vector<16xi32>
      %shift_right_arithmetic3A_1193 = arith.constant 7 : i32
      %shift_right_arithmetic3A_1194 = vector.broadcast %shift_right_arithmetic3A_1193 : i32 to vector<16xi32>
      %shift_right_arithmetic3A_1195 = arith.shrsi %add3A_1192, %shift_right_arithmetic3A_1194 : vector<16xi32>
      %and3A_1196 = arith.constant 127 : i32
      %and3A_1197 = vector.broadcast %and3A_1196 : i32 to vector<16xi32>
      %and3A_1198 = arith.andi %add3A_1192, %and3A_1197 : vector<16xi32>
      %gather3A_1199 = tpu.vector_load_idx %arg5[%shift_right_arithmetic3A_1195, %and3A_1198] : memref<224x128xi32, #tpu.memory_space<vmem>>[vector<16xi32>, vector<16xi32>], vector<16xi32>,
      %shift_right_arithmetic3A_1200 = arith.constant 14 : i32
      %shift_right_arithmetic3A_1201 = vector.broadcast %shift_right_arithmetic3A_1200 : i32 to vector<16xi32>
      %shift_right_arithmetic3A_1202 = arith.shrsi %gather3A_1199, %shift_right_arithmetic3A_1201 : vector<16xi32>
      %shift_left3A_1203 = arith.constant 14 : i32
      %shift_left3A_1204 = vector.broadcast %shift_left3A_1203 : i32 to vector<16xi32>
      %shift_left3A_1205 = arith.shli %shift_right_arithmetic3A_1202, %shift_left3A_1204 : vector<16xi32>
      %and3A_1206 = arith.constant 4095 : i32
      %and3A_1207 = vector.broadcast %and3A_1206 : i32 to vector<16xi32>
      %and3A_1208 = arith.andi %gather3A_1199, %and3A_1207 : vector<16xi32>
      %shift_left3A_1209 = arith.constant 2 : i32
      %shift_left3A_1210 = vector.broadcast %shift_left3A_1209 : i32 to vector<16xi32>
      %shift_left3A_1211 = arith.shli %and3A_1208, %shift_left3A_1210 : vector<16xi32>
      %add3A_1212 = arith.addi %shift_left3A_1205, %shift_left3A_1211 : vector<16xi32>
      %shift_right_arithmetic3A_1213 = arith.constant 12 : i32
      %shift_right_arithmetic3A_1214 = vector.broadcast %shift_right_arithmetic3A_1213 : i32 to vector<16xi32>
      %shift_right_arithmetic3A_1215 = arith.shrsi %gather3A_1199, %shift_right_arithmetic3A_1214 : vector<16xi32>
      %and3A_1216 = arith.constant 3 : i32
      %and3A_1217 = vector.broadcast %and3A_1216 : i32 to vector<16xi32>
      %and3A_1218 = arith.andi %shift_right_arithmetic3A_1215, %and3A_1217 : vector<16xi32>
      %add3A_1219 = arith.addi %add3A_1212, %and3A_1218 : vector<16xi32>
      %swap3A_1220 = arith.constant 3 : i32
      %swap3A_1221 = arith.index_cast %swap3A_1220 : i32 to index
      %swap3A_1222 = arith.constant 0 : index
      %swap3A_1223 = tpu.vector_load %arg6[%swap3A_1221, %swap3A_1222] {strides = array<i32>} : memref<4x128xi32, #tpu.memory_space<vmem>>, vector<16xi32>,
      tpu.vector_store %arg6[%swap3A_1221, %swap3A_1222], %add3A_1219 {strides = array<i32>} : memref<4x128xi32, #tpu.memory_space<vmem>>, vector<16xi32>,
      %mul3A_1224 = arith.constant 512 : i32
      %mul3A_1225 = arith.muli %scan3A_26, %mul3A_1224 : i32
      %add3A_1226 = arith.addi %mul3A_5, %mul3A_1225 : i32
      %add3A_1227 = arith.constant 384 : i32
      %add3A_1228 = arith.addi %add3A_1226, %add3A_1227 : i32
      %add3A_1229 = arith.constant 16 : i32
      %add3A_1230 = arith.addi %add3A_1228, %add3A_1229 : i32
      %and3A_1231 = arith.constant 4095 : i32
      %and3A_1232 = arith.andi %add3A_1230, %and3A_1231 : i32
      %sub3A_1233 = arith.subi %add3A_1230, %and3A_1232 : i32
      %and3A_1234 = arith.constant 4095 : i32
      %and3A_1235 = arith.andi %add3A_1230, %and3A_1234 : i32
      %shift_right_arithmetic3A_1236 = arith.constant 2 : i32
      %shift_right_arithmetic3A_1237 = arith.shrsi %and3A_1235, %shift_right_arithmetic3A_1236 : i32
      %add3A_1238 = arith.addi %sub3A_1233, %shift_right_arithmetic3A_1237 : i32
      %add3A_1239 = vector.broadcast %add3A_1238 : i32 to vector<16xi32>
      %add3A_1240 = arith.addi %add3A_20, %add3A_1239 : vector<16xi32>
      %shift_right_arithmetic3A_1241 = arith.constant 7 : i32
      %shift_right_arithmetic3A_1242 = vector.broadcast %shift_right_arithmetic3A_1241 : i32 to vector<16xi32>
      %shift_right_arithmetic3A_1243 = arith.shrsi %add3A_1240, %shift_right_arithmetic3A_1242 : vector<16xi32>
      %and3A_1244 = arith.constant 127 : i32
      %and3A_1245 = vector.broadcast %and3A_1244 : i32 to vector<16xi32>
      %and3A_1246 = arith.andi %add3A_1240, %and3A_1245 : vector<16xi32>
      %gather3A_1247 = tpu.vector_load_idx %arg5[%shift_right_arithmetic3A_1243, %and3A_1246] : memref<224x128xi32, #tpu.memory_space<vmem>>[vector<16xi32>, vector<16xi32>], vector<16xi32>,
      %shift_right_arithmetic3A_1248 = arith.constant 14 : i32
      %shift_right_arithmetic3A_1249 = vector.broadcast %shift_right_arithmetic3A_1248 : i32 to vector<16xi32>
      %shift_right_arithmetic3A_1250 = arith.shrsi %gather3A_1247, %shift_right_arithmetic3A_1249 : vector<16xi32>
      %shift_left3A_1251 = arith.constant 14 : i32
      %shift_left3A_1252 = vector.broadcast %shift_left3A_1251 : i32 to vector<16xi32>
      %shift_left3A_1253 = arith.shli %shift_right_arithmetic3A_1250, %shift_left3A_1252 : vector<16xi32>
      %and3A_1254 = arith.constant 4095 : i32
      %and3A_1255 = vector.broadcast %and3A_1254 : i32 to vector<16xi32>
      %and3A_1256 = arith.andi %gather3A_1247, %and3A_1255 : vector<16xi32>
      %shift_left3A_1257 = arith.constant 2 : i32
      %shift_left3A_1258 = vector.broadcast %shift_left3A_1257 : i32 to vector<16xi32>
      %shift_left3A_1259 = arith.shli %and3A_1256, %shift_left3A_1258 : vector<16xi32>
      %add3A_1260 = arith.addi %shift_left3A_1253, %shift_left3A_1259 : vector<16xi32>
      %shift_right_arithmetic3A_1261 = arith.constant 12 : i32
      %shift_right_arithmetic3A_1262 = vector.broadcast %shift_right_arithmetic3A_1261 : i32 to vector<16xi32>
      %shift_right_arithmetic3A_1263 = arith.shrsi %gather3A_1247, %shift_right_arithmetic3A_1262 : vector<16xi32>
      %and3A_1264 = arith.constant 3 : i32
      %and3A_1265 = vector.broadcast %and3A_1264 : i32 to vector<16xi32>
      %and3A_1266 = arith.andi %shift_right_arithmetic3A_1263, %and3A_1265 : vector<16xi32>
      %add3A_1267 = arith.addi %add3A_1260, %and3A_1266 : vector<16xi32>
      %swap3A_1268 = arith.constant 3 : i32
      %swap3A_1269 = arith.index_cast %swap3A_1268 : i32 to index
      %swap3A_1270 = arith.constant 16 : index
      %swap3A_1271 = tpu.vector_load %arg6[%swap3A_1269, %swap3A_1270] {strides = array<i32>} : memref<4x128xi32, #tpu.memory_space<vmem>>, vector<16xi32>,
      tpu.vector_store %arg6[%swap3A_1269, %swap3A_1270], %add3A_1267 {strides = array<i32>} : memref<4x128xi32, #tpu.memory_space<vmem>>, vector<16xi32>,
      %mul3A_1272 = arith.constant 512 : i32
      %mul3A_1273 = arith.muli %scan3A_26, %mul3A_1272 : i32
      %add3A_1274 = arith.addi %mul3A_5, %mul3A_1273 : i32
      %add3A_1275 = arith.constant 384 : i32
      %add3A_1276 = arith.addi %add3A_1274, %add3A_1275 : i32
      %add3A_1277 = arith.constant 32 : i32
      %add3A_1278 = arith.addi %add3A_1276, %add3A_1277 : i32
      %and3A_1279 = arith.constant 4095 : i32
      %and3A_1280 = arith.andi %add3A_1278, %and3A_1279 : i32
      %sub3A_1281 = arith.subi %add3A_1278, %and3A_1280 : i32
      %and3A_1282 = arith.constant 4095 : i32
      %and3A_1283 = arith.andi %add3A_1278, %and3A_1282 : i32
      %shift_right_arithmetic3A_1284 = arith.constant 2 : i32
      %shift_right_arithmetic3A_1285 = arith.shrsi %and3A_1283, %shift_right_arithmetic3A_1284 : i32
      %add3A_1286 = arith.addi %sub3A_1281, %shift_right_arithmetic3A_1285 : i32
      %add3A_1287 = vector.broadcast %add3A_1286 : i32 to vector<16xi32>
      %add3A_1288 = arith.addi %add3A_20, %add3A_1287 : vector<16xi32>
      %shift_right_arithmetic3A_1289 = arith.constant 7 : i32
      %shift_right_arithmetic3A_1290 = vector.broadcast %shift_right_arithmetic3A_1289 : i32 to vector<16xi32>
      %shift_right_arithmetic3A_1291 = arith.shrsi %add3A_1288, %shift_right_arithmetic3A_1290 : vector<16xi32>
      %and3A_1292 = arith.constant 127 : i32
      %and3A_1293 = vector.broadcast %and3A_1292 : i32 to vector<16xi32>
      %and3A_1294 = arith.andi %add3A_1288, %and3A_1293 : vector<16xi32>
      %gather3A_1295 = tpu.vector_load_idx %arg5[%shift_right_arithmetic3A_1291, %and3A_1294] : memref<224x128xi32, #tpu.memory_space<vmem>>[vector<16xi32>, vector<16xi32>], vector<16xi32>,
      %shift_right_arithmetic3A_1296 = arith.constant 14 : i32
      %shift_right_arithmetic3A_1297 = vector.broadcast %shift_right_arithmetic3A_1296 : i32 to vector<16xi32>
      %shift_right_arithmetic3A_1298 = arith.shrsi %gather3A_1295, %shift_right_arithmetic3A_1297 : vector<16xi32>
      %shift_left3A_1299 = arith.constant 14 : i32
      %shift_left3A_1300 = vector.broadcast %shift_left3A_1299 : i32 to vector<16xi32>
      %shift_left3A_1301 = arith.shli %shift_right_arithmetic3A_1298, %shift_left3A_1300 : vector<16xi32>
      %and3A_1302 = arith.constant 4095 : i32
      %and3A_1303 = vector.broadcast %and3A_1302 : i32 to vector<16xi32>
      %and3A_1304 = arith.andi %gather3A_1295, %and3A_1303 : vector<16xi32>
      %shift_left3A_1305 = arith.constant 2 : i32
      %shift_left3A_1306 = vector.broadcast %shift_left3A_1305 : i32 to vector<16xi32>
      %shift_left3A_1307 = arith.shli %and3A_1304, %shift_left3A_1306 : vector<16xi32>
      %add3A_1308 = arith.addi %shift_left3A_1301, %shift_left3A_1307 : vector<16xi32>
      %shift_right_arithmetic3A_1309 = arith.constant 12 : i32
      %shift_right_arithmetic3A_1310 = vector.broadcast %shift_right_arithmetic3A_1309 : i32 to vector<16xi32>
      %shift_right_arithmetic3A_1311 = arith.shrsi %gather3A_1295, %shift_right_arithmetic3A_1310 : vector<16xi32>
      %and3A_1312 = arith.constant 3 : i32
      %and3A_1313 = vector.broadcast %and3A_1312 : i32 to vector<16xi32>
      %and3A_1314 = arith.andi %shift_right_arithmetic3A_1311, %and3A_1313 : vector<16xi32>
      %add3A_1315 = arith.addi %add3A_1308, %and3A_1314 : vector<16xi32>
      %swap3A_1316 = arith.constant 3 : i32
      %swap3A_1317 = arith.index_cast %swap3A_1316 : i32 to index
      %swap3A_1318 = arith.constant 32 : index
      %swap3A_1319 = tpu.vector_load %arg6[%swap3A_1317, %swap3A_1318] {strides = array<i32>} : memref<4x128xi32, #tpu.memory_space<vmem>>, vector<16xi32>,
      tpu.vector_store %arg6[%swap3A_1317, %swap3A_1318], %add3A_1315 {strides = array<i32>} : memref<4x128xi32, #tpu.memory_space<vmem>>, vector<16xi32>,
      %mul3A_1320 = arith.constant 512 : i32
      %mul3A_1321 = arith.muli %scan3A_26, %mul3A_1320 : i32
      %add3A_1322 = arith.addi %mul3A_5, %mul3A_1321 : i32
      %add3A_1323 = arith.constant 384 : i32
      %add3A_1324 = arith.addi %add3A_1322, %add3A_1323 : i32
      %add3A_1325 = arith.constant 48 : i32
      %add3A_1326 = arith.addi %add3A_1324, %add3A_1325 : i32
      %and3A_1327 = arith.constant 4095 : i32
      %and3A_1328 = arith.andi %add3A_1326, %and3A_1327 : i32
      %sub3A_1329 = arith.subi %add3A_1326, %and3A_1328 : i32
      %and3A_1330 = arith.constant 4095 : i32
      %and3A_1331 = arith.andi %add3A_1326, %and3A_1330 : i32
      %shift_right_arithmetic3A_1332 = arith.constant 2 : i32
      %shift_right_arithmetic3A_1333 = arith.shrsi %and3A_1331, %shift_right_arithmetic3A_1332 : i32
      %add3A_1334 = arith.addi %sub3A_1329, %shift_right_arithmetic3A_1333 : i32
      %add3A_1335 = vector.broadcast %add3A_1334 : i32 to vector<16xi32>
      %add3A_1336 = arith.addi %add3A_20, %add3A_1335 : vector<16xi32>
      %shift_right_arithmetic3A_1337 = arith.constant 7 : i32
      %shift_right_arithmetic3A_1338 = vector.broadcast %shift_right_arithmetic3A_1337 : i32 to vector<16xi32>
      %shift_right_arithmetic3A_1339 = arith.shrsi %add3A_1336, %shift_right_arithmetic3A_1338 : vector<16xi32>
      %and3A_1340 = arith.constant 127 : i32
      %and3A_1341 = vector.broadcast %and3A_1340 : i32 to vector<16xi32>
      %and3A_1342 = arith.andi %add3A_1336, %and3A_1341 : vector<16xi32>
      %gather3A_1343 = tpu.vector_load_idx %arg5[%shift_right_arithmetic3A_1339, %and3A_1342] : memref<224x128xi32, #tpu.memory_space<vmem>>[vector<16xi32>, vector<16xi32>], vector<16xi32>,
      %shift_right_arithmetic3A_1344 = arith.constant 14 : i32
      %shift_right_arithmetic3A_1345 = vector.broadcast %shift_right_arithmetic3A_1344 : i32 to vector<16xi32>
      %shift_right_arithmetic3A_1346 = arith.shrsi %gather3A_1343, %shift_right_arithmetic3A_1345 : vector<16xi32>
      %shift_left3A_1347 = arith.constant 14 : i32
      %shift_left3A_1348 = vector.broadcast %shift_left3A_1347 : i32 to vector<16xi32>
      %shift_left3A_1349 = arith.shli %shift_right_arithmetic3A_1346, %shift_left3A_1348 : vector<16xi32>
      %and3A_1350 = arith.constant 4095 : i32
      %and3A_1351 = vector.broadcast %and3A_1350 : i32 to vector<16xi32>
      %and3A_1352 = arith.andi %gather3A_1343, %and3A_1351 : vector<16xi32>
      %shift_left3A_1353 = arith.constant 2 : i32
      %shift_left3A_1354 = vector.broadcast %shift_left3A_1353 : i32 to vector<16xi32>
      %shift_left3A_1355 = arith.shli %and3A_1352, %shift_left3A_1354 : vector<16xi32>
      %add3A_1356 = arith.addi %shift_left3A_1349, %shift_left3A_1355 : vector<16xi32>
      %shift_right_arithmetic3A_1357 = arith.constant 12 : i32
      %shift_right_arithmetic3A_1358 = vector.broadcast %shift_right_arithmetic3A_1357 : i32 to vector<16xi32>
      %shift_right_arithmetic3A_1359 = arith.shrsi %gather3A_1343, %shift_right_arithmetic3A_1358 : vector<16xi32>
      %and3A_1360 = arith.constant 3 : i32
      %and3A_1361 = vector.broadcast %and3A_1360 : i32 to vector<16xi32>
      %and3A_1362 = arith.andi %shift_right_arithmetic3A_1359, %and3A_1361 : vector<16xi32>
      %add3A_1363 = arith.addi %add3A_1356, %and3A_1362 : vector<16xi32>
      %swap3A_1364 = arith.constant 3 : i32
      %swap3A_1365 = arith.index_cast %swap3A_1364 : i32 to index
      %swap3A_1366 = arith.constant 48 : index
      %swap3A_1367 = tpu.vector_load %arg6[%swap3A_1365, %swap3A_1366] {strides = array<i32>} : memref<4x128xi32, #tpu.memory_space<vmem>>, vector<16xi32>,
      tpu.vector_store %arg6[%swap3A_1365, %swap3A_1366], %add3A_1363 {strides = array<i32>} : memref<4x128xi32, #tpu.memory_space<vmem>>, vector<16xi32>,
      %mul3A_1368 = arith.constant 512 : i32
      %mul3A_1369 = arith.muli %scan3A_26, %mul3A_1368 : i32
      %add3A_1370 = arith.addi %mul3A_5, %mul3A_1369 : i32
      %add3A_1371 = arith.constant 384 : i32
      %add3A_1372 = arith.addi %add3A_1370, %add3A_1371 : i32
      %add3A_1373 = arith.constant 64 : i32
      %add3A_1374 = arith.addi %add3A_1372, %add3A_1373 : i32
      %and3A_1375 = arith.constant 4095 : i32
      %and3A_1376 = arith.andi %add3A_1374, %and3A_1375 : i32
      %sub3A_1377 = arith.subi %add3A_1374, %and3A_1376 : i32
      %and3A_1378 = arith.constant 4095 : i32
      %and3A_1379 = arith.andi %add3A_1374, %and3A_1378 : i32
      %shift_right_arithmetic3A_1380 = arith.constant 2 : i32
      %shift_right_arithmetic3A_1381 = arith.shrsi %and3A_1379, %shift_right_arithmetic3A_1380 : i32
      %add3A_1382 = arith.addi %sub3A_1377, %shift_right_arithmetic3A_1381 : i32
      %add3A_1383 = vector.broadcast %add3A_1382 : i32 to vector<16xi32>
      %add3A_1384 = arith.addi %add3A_20, %add3A_1383 : vector<16xi32>
      %shift_right_arithmetic3A_1385 = arith.constant 7 : i32
      %shift_right_arithmetic3A_1386 = vector.broadcast %shift_right_arithmetic3A_1385 : i32 to vector<16xi32>
      %shift_right_arithmetic3A_1387 = arith.shrsi %add3A_1384, %shift_right_arithmetic3A_1386 : vector<16xi32>
      %and3A_1388 = arith.constant 127 : i32
      %and3A_1389 = vector.broadcast %and3A_1388 : i32 to vector<16xi32>
      %and3A_1390 = arith.andi %add3A_1384, %and3A_1389 : vector<16xi32>
      %gather3A_1391 = tpu.vector_load_idx %arg5[%shift_right_arithmetic3A_1387, %and3A_1390] : memref<224x128xi32, #tpu.memory_space<vmem>>[vector<16xi32>, vector<16xi32>], vector<16xi32>,
      %shift_right_arithmetic3A_1392 = arith.constant 14 : i32
      %shift_right_arithmetic3A_1393 = vector.broadcast %shift_right_arithmetic3A_1392 : i32 to vector<16xi32>
      %shift_right_arithmetic3A_1394 = arith.shrsi %gather3A_1391, %shift_right_arithmetic3A_1393 : vector<16xi32>
      %shift_left3A_1395 = arith.constant 14 : i32
      %shift_left3A_1396 = vector.broadcast %shift_left3A_1395 : i32 to vector<16xi32>
      %shift_left3A_1397 = arith.shli %shift_right_arithmetic3A_1394, %shift_left3A_1396 : vector<16xi32>
      %and3A_1398 = arith.constant 4095 : i32
      %and3A_1399 = vector.broadcast %and3A_1398 : i32 to vector<16xi32>
      %and3A_1400 = arith.andi %gather3A_1391, %and3A_1399 : vector<16xi32>
      %shift_left3A_1401 = arith.constant 2 : i32
      %shift_left3A_1402 = vector.broadcast %shift_left3A_1401 : i32 to vector<16xi32>
      %shift_left3A_1403 = arith.shli %and3A_1400, %shift_left3A_1402 : vector<16xi32>
      %add3A_1404 = arith.addi %shift_left3A_1397, %shift_left3A_1403 : vector<16xi32>
      %shift_right_arithmetic3A_1405 = arith.constant 12 : i32
      %shift_right_arithmetic3A_1406 = vector.broadcast %shift_right_arithmetic3A_1405 : i32 to vector<16xi32>
      %shift_right_arithmetic3A_1407 = arith.shrsi %gather3A_1391, %shift_right_arithmetic3A_1406 : vector<16xi32>
      %and3A_1408 = arith.constant 3 : i32
      %and3A_1409 = vector.broadcast %and3A_1408 : i32 to vector<16xi32>
      %and3A_1410 = arith.andi %shift_right_arithmetic3A_1407, %and3A_1409 : vector<16xi32>
      %add3A_1411 = arith.addi %add3A_1404, %and3A_1410 : vector<16xi32>
      %swap3A_1412 = arith.constant 3 : i32
      %swap3A_1413 = arith.index_cast %swap3A_1412 : i32 to index
      %swap3A_1414 = arith.constant 64 : index
      %swap3A_1415 = tpu.vector_load %arg6[%swap3A_1413, %swap3A_1414] {strides = array<i32>} : memref<4x128xi32, #tpu.memory_space<vmem>>, vector<16xi32>,
      tpu.vector_store %arg6[%swap3A_1413, %swap3A_1414], %add3A_1411 {strides = array<i32>} : memref<4x128xi32, #tpu.memory_space<vmem>>, vector<16xi32>,
      %mul3A_1416 = arith.constant 512 : i32
      %mul3A_1417 = arith.muli %scan3A_26, %mul3A_1416 : i32
      %add3A_1418 = arith.addi %mul3A_5, %mul3A_1417 : i32
      %add3A_1419 = arith.constant 384 : i32
      %add3A_1420 = arith.addi %add3A_1418, %add3A_1419 : i32
      %add3A_1421 = arith.constant 80 : i32
      %add3A_1422 = arith.addi %add3A_1420, %add3A_1421 : i32
      %and3A_1423 = arith.constant 4095 : i32
      %and3A_1424 = arith.andi %add3A_1422, %and3A_1423 : i32
      %sub3A_1425 = arith.subi %add3A_1422, %and3A_1424 : i32
      %and3A_1426 = arith.constant 4095 : i32
      %and3A_1427 = arith.andi %add3A_1422, %and3A_1426 : i32
      %shift_right_arithmetic3A_1428 = arith.constant 2 : i32
      %shift_right_arithmetic3A_1429 = arith.shrsi %and3A_1427, %shift_right_arithmetic3A_1428 : i32
      %add3A_1430 = arith.addi %sub3A_1425, %shift_right_arithmetic3A_1429 : i32
      %add3A_1431 = vector.broadcast %add3A_1430 : i32 to vector<16xi32>
      %add3A_1432 = arith.addi %add3A_20, %add3A_1431 : vector<16xi32>
      %shift_right_arithmetic3A_1433 = arith.constant 7 : i32
      %shift_right_arithmetic3A_1434 = vector.broadcast %shift_right_arithmetic3A_1433 : i32 to vector<16xi32>
      %shift_right_arithmetic3A_1435 = arith.shrsi %add3A_1432, %shift_right_arithmetic3A_1434 : vector<16xi32>
      %and3A_1436 = arith.constant 127 : i32
      %and3A_1437 = vector.broadcast %and3A_1436 : i32 to vector<16xi32>
      %and3A_1438 = arith.andi %add3A_1432, %and3A_1437 : vector<16xi32>
      %gather3A_1439 = tpu.vector_load_idx %arg5[%shift_right_arithmetic3A_1435, %and3A_1438] : memref<224x128xi32, #tpu.memory_space<vmem>>[vector<16xi32>, vector<16xi32>], vector<16xi32>,
      %shift_right_arithmetic3A_1440 = arith.constant 14 : i32
      %shift_right_arithmetic3A_1441 = vector.broadcast %shift_right_arithmetic3A_1440 : i32 to vector<16xi32>
      %shift_right_arithmetic3A_1442 = arith.shrsi %gather3A_1439, %shift_right_arithmetic3A_1441 : vector<16xi32>
      %shift_left3A_1443 = arith.constant 14 : i32
      %shift_left3A_1444 = vector.broadcast %shift_left3A_1443 : i32 to vector<16xi32>
      %shift_left3A_1445 = arith.shli %shift_right_arithmetic3A_1442, %shift_left3A_1444 : vector<16xi32>
      %and3A_1446 = arith.constant 4095 : i32
      %and3A_1447 = vector.broadcast %and3A_1446 : i32 to vector<16xi32>
      %and3A_1448 = arith.andi %gather3A_1439, %and3A_1447 : vector<16xi32>
      %shift_left3A_1449 = arith.constant 2 : i32
      %shift_left3A_1450 = vector.broadcast %shift_left3A_1449 : i32 to vector<16xi32>
      %shift_left3A_1451 = arith.shli %and3A_1448, %shift_left3A_1450 : vector<16xi32>
      %add3A_1452 = arith.addi %shift_left3A_1445, %shift_left3A_1451 : vector<16xi32>
      %shift_right_arithmetic3A_1453 = arith.constant 12 : i32
      %shift_right_arithmetic3A_1454 = vector.broadcast %shift_right_arithmetic3A_1453 : i32 to vector<16xi32>
      %shift_right_arithmetic3A_1455 = arith.shrsi %gather3A_1439, %shift_right_arithmetic3A_1454 : vector<16xi32>
      %and3A_1456 = arith.constant 3 : i32
      %and3A_1457 = vector.broadcast %and3A_1456 : i32 to vector<16xi32>
      %and3A_1458 = arith.andi %shift_right_arithmetic3A_1455, %and3A_1457 : vector<16xi32>
      %add3A_1459 = arith.addi %add3A_1452, %and3A_1458 : vector<16xi32>
      %swap3A_1460 = arith.constant 3 : i32
      %swap3A_1461 = arith.index_cast %swap3A_1460 : i32 to index
      %swap3A_1462 = arith.constant 80 : index
      %swap3A_1463 = tpu.vector_load %arg6[%swap3A_1461, %swap3A_1462] {strides = array<i32>} : memref<4x128xi32, #tpu.memory_space<vmem>>, vector<16xi32>,
      tpu.vector_store %arg6[%swap3A_1461, %swap3A_1462], %add3A_1459 {strides = array<i32>} : memref<4x128xi32, #tpu.memory_space<vmem>>, vector<16xi32>,
      %mul3A_1464 = arith.constant 512 : i32
      %mul3A_1465 = arith.muli %scan3A_26, %mul3A_1464 : i32
      %add3A_1466 = arith.addi %mul3A_5, %mul3A_1465 : i32
      %add3A_1467 = arith.constant 384 : i32
      %add3A_1468 = arith.addi %add3A_1466, %add3A_1467 : i32
      %add3A_1469 = arith.constant 96 : i32
      %add3A_1470 = arith.addi %add3A_1468, %add3A_1469 : i32
      %and3A_1471 = arith.constant 4095 : i32
      %and3A_1472 = arith.andi %add3A_1470, %and3A_1471 : i32
      %sub3A_1473 = arith.subi %add3A_1470, %and3A_1472 : i32
      %and3A_1474 = arith.constant 4095 : i32
      %and3A_1475 = arith.andi %add3A_1470, %and3A_1474 : i32
      %shift_right_arithmetic3A_1476 = arith.constant 2 : i32
      %shift_right_arithmetic3A_1477 = arith.shrsi %and3A_1475, %shift_right_arithmetic3A_1476 : i32
      %add3A_1478 = arith.addi %sub3A_1473, %shift_right_arithmetic3A_1477 : i32
      %add3A_1479 = vector.broadcast %add3A_1478 : i32 to vector<16xi32>
      %add3A_1480 = arith.addi %add3A_20, %add3A_1479 : vector<16xi32>
      %shift_right_arithmetic3A_1481 = arith.constant 7 : i32
      %shift_right_arithmetic3A_1482 = vector.broadcast %shift_right_arithmetic3A_1481 : i32 to vector<16xi32>
      %shift_right_arithmetic3A_1483 = arith.shrsi %add3A_1480, %shift_right_arithmetic3A_1482 : vector<16xi32>
      %and3A_1484 = arith.constant 127 : i32
      %and3A_1485 = vector.broadcast %and3A_1484 : i32 to vector<16xi32>
      %and3A_1486 = arith.andi %add3A_1480, %and3A_1485 : vector<16xi32>
      %gather3A_1487 = tpu.vector_load_idx %arg5[%shift_right_arithmetic3A_1483, %and3A_1486] : memref<224x128xi32, #tpu.memory_space<vmem>>[vector<16xi32>, vector<16xi32>], vector<16xi32>,
      %shift_right_arithmetic3A_1488 = arith.constant 14 : i32
      %shift_right_arithmetic3A_1489 = vector.broadcast %shift_right_arithmetic3A_1488 : i32 to vector<16xi32>
      %shift_right_arithmetic3A_1490 = arith.shrsi %gather3A_1487, %shift_right_arithmetic3A_1489 : vector<16xi32>
      %shift_left3A_1491 = arith.constant 14 : i32
      %shift_left3A_1492 = vector.broadcast %shift_left3A_1491 : i32 to vector<16xi32>
      %shift_left3A_1493 = arith.shli %shift_right_arithmetic3A_1490, %shift_left3A_1492 : vector<16xi32>
      %and3A_1494 = arith.constant 4095 : i32
      %and3A_1495 = vector.broadcast %and3A_1494 : i32 to vector<16xi32>
      %and3A_1496 = arith.andi %gather3A_1487, %and3A_1495 : vector<16xi32>
      %shift_left3A_1497 = arith.constant 2 : i32
      %shift_left3A_1498 = vector.broadcast %shift_left3A_1497 : i32 to vector<16xi32>
      %shift_left3A_1499 = arith.shli %and3A_1496, %shift_left3A_1498 : vector<16xi32>
      %add3A_1500 = arith.addi %shift_left3A_1493, %shift_left3A_1499 : vector<16xi32>
      %shift_right_arithmetic3A_1501 = arith.constant 12 : i32
      %shift_right_arithmetic3A_1502 = vector.broadcast %shift_right_arithmetic3A_1501 : i32 to vector<16xi32>
      %shift_right_arithmetic3A_1503 = arith.shrsi %gather3A_1487, %shift_right_arithmetic3A_1502 : vector<16xi32>
      %and3A_1504 = arith.constant 3 : i32
      %and3A_1505 = vector.broadcast %and3A_1504 : i32 to vector<16xi32>
      %and3A_1506 = arith.andi %shift_right_arithmetic3A_1503, %and3A_1505 : vector<16xi32>
      %add3A_1507 = arith.addi %add3A_1500, %and3A_1506 : vector<16xi32>
      %swap3A_1508 = arith.constant 3 : i32
      %swap3A_1509 = arith.index_cast %swap3A_1508 : i32 to index
      %swap3A_1510 = arith.constant 96 : index
      %swap3A_1511 = tpu.vector_load %arg6[%swap3A_1509, %swap3A_1510] {strides = array<i32>} : memref<4x128xi32, #tpu.memory_space<vmem>>, vector<16xi32>,
      tpu.vector_store %arg6[%swap3A_1509, %swap3A_1510], %add3A_1507 {strides = array<i32>} : memref<4x128xi32, #tpu.memory_space<vmem>>, vector<16xi32>,
      %mul3A_1512 = arith.constant 512 : i32
      %mul3A_1513 = arith.muli %scan3A_26, %mul3A_1512 : i32
      %add3A_1514 = arith.addi %mul3A_5, %mul3A_1513 : i32
      %add3A_1515 = arith.constant 384 : i32
      %add3A_1516 = arith.addi %add3A_1514, %add3A_1515 : i32
      %add3A_1517 = arith.constant 112 : i32
      %add3A_1518 = arith.addi %add3A_1516, %add3A_1517 : i32
      %and3A_1519 = arith.constant 4095 : i32
      %and3A_1520 = arith.andi %add3A_1518, %and3A_1519 : i32
      %sub3A_1521 = arith.subi %add3A_1518, %and3A_1520 : i32
      %and3A_1522 = arith.constant 4095 : i32
      %and3A_1523 = arith.andi %add3A_1518, %and3A_1522 : i32
      %shift_right_arithmetic3A_1524 = arith.constant 2 : i32
      %shift_right_arithmetic3A_1525 = arith.shrsi %and3A_1523, %shift_right_arithmetic3A_1524 : i32
      %add3A_1526 = arith.addi %sub3A_1521, %shift_right_arithmetic3A_1525 : i32
      %add3A_1527 = vector.broadcast %add3A_1526 : i32 to vector<16xi32>
      %add3A_1528 = arith.addi %add3A_20, %add3A_1527 : vector<16xi32>
      %shift_right_arithmetic3A_1529 = arith.constant 7 : i32
      %shift_right_arithmetic3A_1530 = vector.broadcast %shift_right_arithmetic3A_1529 : i32 to vector<16xi32>
      %shift_right_arithmetic3A_1531 = arith.shrsi %add3A_1528, %shift_right_arithmetic3A_1530 : vector<16xi32>
      %and3A_1532 = arith.constant 127 : i32
      %and3A_1533 = vector.broadcast %and3A_1532 : i32 to vector<16xi32>
      %and3A_1534 = arith.andi %add3A_1528, %and3A_1533 : vector<16xi32>
      %gather3A_1535 = tpu.vector_load_idx %arg5[%shift_right_arithmetic3A_1531, %and3A_1534] : memref<224x128xi32, #tpu.memory_space<vmem>>[vector<16xi32>, vector<16xi32>], vector<16xi32>,
      %shift_right_arithmetic3A_1536 = arith.constant 14 : i32
      %shift_right_arithmetic3A_1537 = vector.broadcast %shift_right_arithmetic3A_1536 : i32 to vector<16xi32>
      %shift_right_arithmetic3A_1538 = arith.shrsi %gather3A_1535, %shift_right_arithmetic3A_1537 : vector<16xi32>
      %shift_left3A_1539 = arith.constant 14 : i32
      %shift_left3A_1540 = vector.broadcast %shift_left3A_1539 : i32 to vector<16xi32>
      %shift_left3A_1541 = arith.shli %shift_right_arithmetic3A_1538, %shift_left3A_1540 : vector<16xi32>
      %and3A_1542 = arith.constant 4095 : i32
      %and3A_1543 = vector.broadcast %and3A_1542 : i32 to vector<16xi32>
      %and3A_1544 = arith.andi %gather3A_1535, %and3A_1543 : vector<16xi32>
      %shift_left3A_1545 = arith.constant 2 : i32
      %shift_left3A_1546 = vector.broadcast %shift_left3A_1545 : i32 to vector<16xi32>
      %shift_left3A_1547 = arith.shli %and3A_1544, %shift_left3A_1546 : vector<16xi32>
      %add3A_1548 = arith.addi %shift_left3A_1541, %shift_left3A_1547 : vector<16xi32>
      %shift_right_arithmetic3A_1549 = arith.constant 12 : i32
      %shift_right_arithmetic3A_1550 = vector.broadcast %shift_right_arithmetic3A_1549 : i32 to vector<16xi32>
      %shift_right_arithmetic3A_1551 = arith.shrsi %gather3A_1535, %shift_right_arithmetic3A_1550 : vector<16xi32>
      %and3A_1552 = arith.constant 3 : i32
      %and3A_1553 = vector.broadcast %and3A_1552 : i32 to vector<16xi32>
      %and3A_1554 = arith.andi %shift_right_arithmetic3A_1551, %and3A_1553 : vector<16xi32>
      %add3A_1555 = arith.addi %add3A_1548, %and3A_1554 : vector<16xi32>
      %swap3A_1556 = arith.constant 3 : i32
      %swap3A_1557 = arith.index_cast %swap3A_1556 : i32 to index
      %swap3A_1558 = arith.constant 112 : index
      %swap3A_1559 = tpu.vector_load %arg6[%swap3A_1557, %swap3A_1558] {strides = array<i32>} : memref<4x128xi32, #tpu.memory_space<vmem>>, vector<16xi32>,
      tpu.vector_store %arg6[%swap3A_1557, %swap3A_1558], %add3A_1555 {strides = array<i32>} : memref<4x128xi32, #tpu.memory_space<vmem>>, vector<16xi32>,
      %dma_start3A = arith.constant 0 : i32
      %dma_start3A_1560 = arith.constant 0 : i32
      %dma_start3A_1561 = arith.constant 0 : i32
      %dma_start3A_1562 = tpu.memref_slice %arg7[%dma_start3A_1560, %dma_start3A_1561] : memref<512x32xi32, #tpu.memory_space<vmem>> -> memref<128x32xi32, #tpu.memory_space<vmem>>
      %dma_start3A_1563 = arith.constant 0 : i32
      %dma_start3A_1564 = tpu.memref_slice %arg6[%dma_start3A, %dma_start3A_1563] : memref<4x128xi32, #tpu.memory_space<vmem>> -> memref<1x128xi32, #tpu.memory_space<vmem>>
      %dma_start3A_1565 = tpu.memref_squeeze %dma_start3A_1564 : memref<1x128xi32, #tpu.memory_space<vmem>> -> memref<128xi32, #tpu.memory_space<vmem>>
      %dma_start3A_1566 = arith.constant 0 : i32
      %dma_start3A_1567 = arith.constant 0 : i32
      %dma_start3A_1568 = tpu.memref_slice %arg2[%dma_start3A_1566, %dma_start3A_1567] : memref<1015808x32xi32, #tpu.memory_space<hbm>> -> memref<1015808x32xi32, #tpu.memory_space<hbm>>
      tpu.enqueue_indirect_dma source(%dma_start3A_1568 : memref<1015808x32xi32, #tpu.memory_space<hbm>>) target(%dma_start3A_1562 : memref<128x32xi32, #tpu.memory_space<vmem>>) offsets(%dma_start3A_1565 : memref<128xi32, #tpu.memory_space<vmem>>) semaphore(%arg8 : memref<!tpu.dma_semaphore, #tpu.memory_space<semaphore_mem>>)
      %dma_start3A_1569 = arith.constant 1 : i32
      %dma_start3A_1570 = arith.constant 128 : i32
      %dma_start3A_1571 = arith.constant 0 : i32
      %dma_start3A_1572 = tpu.memref_slice %arg7[%dma_start3A_1570, %dma_start3A_1571] : memref<512x32xi32, #tpu.memory_space<vmem>> -> memref<128x32xi32, #tpu.memory_space<vmem>>
      %dma_start3A_1573 = arith.constant 0 : i32
      %dma_start3A_1574 = tpu.memref_slice %arg6[%dma_start3A_1569, %dma_start3A_1573] : memref<4x128xi32, #tpu.memory_space<vmem>> -> memref<1x128xi32, #tpu.memory_space<vmem>>
      %dma_start3A_1575 = tpu.memref_squeeze %dma_start3A_1574 : memref<1x128xi32, #tpu.memory_space<vmem>> -> memref<128xi32, #tpu.memory_space<vmem>>
      %dma_start3A_1576 = arith.constant 0 : i32
      %dma_start3A_1577 = arith.constant 0 : i32
      %dma_start3A_1578 = tpu.memref_slice %arg2[%dma_start3A_1576, %dma_start3A_1577] : memref<1015808x32xi32, #tpu.memory_space<hbm>> -> memref<1015808x32xi32, #tpu.memory_space<hbm>>
      tpu.enqueue_indirect_dma source(%dma_start3A_1578 : memref<1015808x32xi32, #tpu.memory_space<hbm>>) target(%dma_start3A_1572 : memref<128x32xi32, #tpu.memory_space<vmem>>) offsets(%dma_start3A_1575 : memref<128xi32, #tpu.memory_space<vmem>>) semaphore(%arg8 : memref<!tpu.dma_semaphore, #tpu.memory_space<semaphore_mem>>)
      %dma_start3A_1579 = arith.constant 2 : i32
      %dma_start3A_1580 = arith.constant 256 : i32
      %dma_start3A_1581 = arith.constant 0 : i32
      %dma_start3A_1582 = tpu.memref_slice %arg7[%dma_start3A_1580, %dma_start3A_1581] : memref<512x32xi32, #tpu.memory_space<vmem>> -> memref<128x32xi32, #tpu.memory_space<vmem>>
      %dma_start3A_1583 = arith.constant 0 : i32
      %dma_start3A_1584 = tpu.memref_slice %arg6[%dma_start3A_1579, %dma_start3A_1583] : memref<4x128xi32, #tpu.memory_space<vmem>> -> memref<1x128xi32, #tpu.memory_space<vmem>>
      %dma_start3A_1585 = tpu.memref_squeeze %dma_start3A_1584 : memref<1x128xi32, #tpu.memory_space<vmem>> -> memref<128xi32, #tpu.memory_space<vmem>>
      %dma_start3A_1586 = arith.constant 0 : i32
      %dma_start3A_1587 = arith.constant 0 : i32
      %dma_start3A_1588 = tpu.memref_slice %arg2[%dma_start3A_1586, %dma_start3A_1587] : memref<1015808x32xi32, #tpu.memory_space<hbm>> -> memref<1015808x32xi32, #tpu.memory_space<hbm>>
      tpu.enqueue_indirect_dma source(%dma_start3A_1588 : memref<1015808x32xi32, #tpu.memory_space<hbm>>) target(%dma_start3A_1582 : memref<128x32xi32, #tpu.memory_space<vmem>>) offsets(%dma_start3A_1585 : memref<128xi32, #tpu.memory_space<vmem>>) semaphore(%arg8 : memref<!tpu.dma_semaphore, #tpu.memory_space<semaphore_mem>>)
      %dma_start3A_1589 = arith.constant 3 : i32
      %dma_start3A_1590 = arith.constant 384 : i32
      %dma_start3A_1591 = arith.constant 0 : i32
      %dma_start3A_1592 = tpu.memref_slice %arg7[%dma_start3A_1590, %dma_start3A_1591] : memref<512x32xi32, #tpu.memory_space<vmem>> -> memref<128x32xi32, #tpu.memory_space<vmem>>
      %dma_start3A_1593 = arith.constant 0 : i32
      %dma_start3A_1594 = tpu.memref_slice %arg6[%dma_start3A_1589, %dma_start3A_1593] : memref<4x128xi32, #tpu.memory_space<vmem>> -> memref<1x128xi32, #tpu.memory_space<vmem>>
      %dma_start3A_1595 = tpu.memref_squeeze %dma_start3A_1594 : memref<1x128xi32, #tpu.memory_space<vmem>> -> memref<128xi32, #tpu.memory_space<vmem>>
      %dma_start3A_1596 = arith.constant 0 : i32
      %dma_start3A_1597 = arith.constant 0 : i32
      %dma_start3A_1598 = tpu.memref_slice %arg2[%dma_start3A_1596, %dma_start3A_1597] : memref<1015808x32xi32, #tpu.memory_space<hbm>> -> memref<1015808x32xi32, #tpu.memory_space<hbm>>
      tpu.enqueue_indirect_dma source(%dma_start3A_1598 : memref<1015808x32xi32, #tpu.memory_space<hbm>>) target(%dma_start3A_1592 : memref<128x32xi32, #tpu.memory_space<vmem>>) offsets(%dma_start3A_1595 : memref<128xi32, #tpu.memory_space<vmem>>) semaphore(%arg8 : memref<!tpu.dma_semaphore, #tpu.memory_space<semaphore_mem>>)
      %dma_wait3A = arith.constant 0 : i32
      %dma_wait3A_1599 = arith.constant 0 : i32
      %dma_wait3A_1600 = arith.constant 0 : i32
      %dma_wait3A_1601 = tpu.memref_slice %arg7[%dma_wait3A_1599, %dma_wait3A_1600] : memref<512x32xi32, #tpu.memory_space<vmem>> -> memref<128x32xi32, #tpu.memory_space<vmem>>
      %dma_wait3A_1602 = arith.constant 0 : i32
      %dma_wait3A_1603 = tpu.memref_slice %arg6[%dma_wait3A, %dma_wait3A_1602] : memref<4x128xi32, #tpu.memory_space<vmem>> -> memref<1x128xi32, #tpu.memory_space<vmem>>
      %dma_wait3A_1604 = tpu.memref_squeeze %dma_wait3A_1603 : memref<1x128xi32, #tpu.memory_space<vmem>> -> memref<128xi32, #tpu.memory_space<vmem>>
      %dma_wait3A_1605 = arith.constant 0 : i32
      %dma_wait3A_1606 = arith.constant 0 : i32
      %dma_wait3A_1607 = tpu.memref_slice %arg2[%dma_wait3A_1605, %dma_wait3A_1606] : memref<1015808x32xi32, #tpu.memory_space<hbm>> -> memref<1015808x32xi32, #tpu.memory_space<hbm>>
      tpu.wait_indirect_dma semaphore(%arg8 : memref<!tpu.dma_semaphore, #tpu.memory_space<semaphore_mem>>) src(%dma_wait3A_1607 : memref<1015808x32xi32, #tpu.memory_space<hbm>>) dst(%dma_wait3A_1601 : memref<128x32xi32, #tpu.memory_space<vmem>>)
      %dma_wait3A_1608 = arith.constant 1 : i32
      %dma_wait3A_1609 = arith.constant 128 : i32
      %dma_wait3A_1610 = arith.constant 0 : i32
      %dma_wait3A_1611 = tpu.memref_slice %arg7[%dma_wait3A_1609, %dma_wait3A_1610] : memref<512x32xi32, #tpu.memory_space<vmem>> -> memref<128x32xi32, #tpu.memory_space<vmem>>
      %dma_wait3A_1612 = arith.constant 0 : i32
      %dma_wait3A_1613 = tpu.memref_slice %arg6[%dma_wait3A_1608, %dma_wait3A_1612] : memref<4x128xi32, #tpu.memory_space<vmem>> -> memref<1x128xi32, #tpu.memory_space<vmem>>
      %dma_wait3A_1614 = tpu.memref_squeeze %dma_wait3A_1613 : memref<1x128xi32, #tpu.memory_space<vmem>> -> memref<128xi32, #tpu.memory_space<vmem>>
      %dma_wait3A_1615 = arith.constant 0 : i32
      %dma_wait3A_1616 = arith.constant 0 : i32
      %dma_wait3A_1617 = tpu.memref_slice %arg2[%dma_wait3A_1615, %dma_wait3A_1616] : memref<1015808x32xi32, #tpu.memory_space<hbm>> -> memref<1015808x32xi32, #tpu.memory_space<hbm>>
      tpu.wait_indirect_dma semaphore(%arg8 : memref<!tpu.dma_semaphore, #tpu.memory_space<semaphore_mem>>) src(%dma_wait3A_1617 : memref<1015808x32xi32, #tpu.memory_space<hbm>>) dst(%dma_wait3A_1611 : memref<128x32xi32, #tpu.memory_space<vmem>>)
      %dma_wait3A_1618 = arith.constant 2 : i32
      %dma_wait3A_1619 = arith.constant 256 : i32
      %dma_wait3A_1620 = arith.constant 0 : i32
      %dma_wait3A_1621 = tpu.memref_slice %arg7[%dma_wait3A_1619, %dma_wait3A_1620] : memref<512x32xi32, #tpu.memory_space<vmem>> -> memref<128x32xi32, #tpu.memory_space<vmem>>
      %dma_wait3A_1622 = arith.constant 0 : i32
      %dma_wait3A_1623 = tpu.memref_slice %arg6[%dma_wait3A_1618, %dma_wait3A_1622] : memref<4x128xi32, #tpu.memory_space<vmem>> -> memref<1x128xi32, #tpu.memory_space<vmem>>
      %dma_wait3A_1624 = tpu.memref_squeeze %dma_wait3A_1623 : memref<1x128xi32, #tpu.memory_space<vmem>> -> memref<128xi32, #tpu.memory_space<vmem>>
      %dma_wait3A_1625 = arith.constant 0 : i32
      %dma_wait3A_1626 = arith.constant 0 : i32
      %dma_wait3A_1627 = tpu.memref_slice %arg2[%dma_wait3A_1625, %dma_wait3A_1626] : memref<1015808x32xi32, #tpu.memory_space<hbm>> -> memref<1015808x32xi32, #tpu.memory_space<hbm>>
      tpu.wait_indirect_dma semaphore(%arg8 : memref<!tpu.dma_semaphore, #tpu.memory_space<semaphore_mem>>) src(%dma_wait3A_1627 : memref<1015808x32xi32, #tpu.memory_space<hbm>>) dst(%dma_wait3A_1621 : memref<128x32xi32, #tpu.memory_space<vmem>>)
      %dma_wait3A_1628 = arith.constant 3 : i32
      %dma_wait3A_1629 = arith.constant 384 : i32
      %dma_wait3A_1630 = arith.constant 0 : i32
      %dma_wait3A_1631 = tpu.memref_slice %arg7[%dma_wait3A_1629, %dma_wait3A_1630] : memref<512x32xi32, #tpu.memory_space<vmem>> -> memref<128x32xi32, #tpu.memory_space<vmem>>
      %dma_wait3A_1632 = arith.constant 0 : i32
      %dma_wait3A_1633 = tpu.memref_slice %arg6[%dma_wait3A_1628, %dma_wait3A_1632] : memref<4x128xi32, #tpu.memory_space<vmem>> -> memref<1x128xi32, #tpu.memory_space<vmem>>
      %dma_wait3A_1634 = tpu.memref_squeeze %dma_wait3A_1633 : memref<1x128xi32, #tpu.memory_space<vmem>> -> memref<128xi32, #tpu.memory_space<vmem>>
      %dma_wait3A_1635 = arith.constant 0 : i32
      %dma_wait3A_1636 = arith.constant 0 : i32
      %dma_wait3A_1637 = tpu.memref_slice %arg2[%dma_wait3A_1635, %dma_wait3A_1636] : memref<1015808x32xi32, #tpu.memory_space<hbm>> -> memref<1015808x32xi32, #tpu.memory_space<hbm>>
      tpu.wait_indirect_dma semaphore(%arg8 : memref<!tpu.dma_semaphore, #tpu.memory_space<semaphore_mem>>) src(%dma_wait3A_1637 : memref<1015808x32xi32, #tpu.memory_space<hbm>>) dst(%dma_wait3A_1631 : memref<128x32xi32, #tpu.memory_space<vmem>>)
      %mul3A_1638 = arith.constant 512 : i32
      %mul3A_1639 = arith.muli %scan3A_26, %mul3A_1638 : i32
      %add3A_1640 = arith.addi %mul3A_2, %mul3A_1639 : i32
      "tpu.region"() ({
        %run_scoped3A = tpu.sem_alloc : memref<!tpu.dma_semaphore, #tpu.memory_space<semaphore_mem>>
        %dma_start3A_1641 = arith.constant 0 : i32
        %dma_start3A_1642 = tpu.memref_slice %arg4[%add3A_1640, %dma_start3A_1641] : memref<819200x32xi32, #tpu.memory_space<hbm>> -> memref<512x32xi32, #tpu.memory_space<hbm>>
        %dma_start3A_1643 = arith.constant 0 : i32
        %dma_start3A_1644 = tpu.memref_slice %arg4[%add3A_1640, %dma_start3A_1643] : memref<819200x32xi32, #tpu.memory_space<hbm>> -> memref<512x32xi32, #tpu.memory_space<hbm>>
        tpu.enqueue_dma source(%arg7 : memref<512x32xi32, #tpu.memory_space<vmem>>) target(%dma_start3A_1644 : memref<512x32xi32, #tpu.memory_space<hbm>>) target_semaphore(%run_scoped3A : memref<!tpu.dma_semaphore, #tpu.memory_space<semaphore_mem>>)
        %dma_wait3A_1645 = arith.constant 0 : i32
        %dma_wait3A_1646 = tpu.memref_slice %arg4[%add3A_1640, %dma_wait3A_1645] : memref<819200x32xi32, #tpu.memory_space<hbm>> -> memref<512x32xi32, #tpu.memory_space<hbm>>
        %dma_wait3A_1647 = arith.constant 0 : i32
        %dma_wait3A_1648 = tpu.memref_slice %arg4[%add3A_1640, %dma_wait3A_1647] : memref<819200x32xi32, #tpu.memory_space<hbm>> -> memref<512x32xi32, #tpu.memory_space<hbm>>
        tpu.wait_dma2 semaphore(%run_scoped3A : memref<!tpu.dma_semaphore, #tpu.memory_space<semaphore_mem>>) src(%arg7 : memref<512x32xi32, #tpu.memory_space<vmem>>) dst(%dma_wait3A_1648 : memref<512x32xi32, #tpu.memory_space<hbm>>)
        tpu.yield
      }) : () -> ()
    }
    %scan3A_25 = arith.constant 50 : i32
    return
  }
}

module attributes {stable_mosaic.version = 14 : i64} {
  func.func @_relayout_body(%arg0: i32, %arg1: memref<64x16384xf32, #tpu.memory_space<vmem>>, %arg2: memref<4096x128xi32, #tpu.memory_space<vmem>>) attributes {dimension_semantics = [#tpu.dimension_semantics<arbitrary>], iteration_bounds = array<i64: 62>, scalar_prefetch = 0 : i64, scratch_operands = 0 : i64, tpu.core_type = #tpu.core_type<tc>, window_params = [{transform_indices = @transform_0, window_bounds = array<i64: 64, 16384>}, {transform_indices = @transform_1, window_bounds = array<i64: 4096, 128>}]} {
    %get3A = arith.constant 0 : index
    %get3A_0 = arith.constant 0 : index
    %get3A_1 = vector.load %arg1[%get3A, %get3A_0] : memref<64x16384xf32, #tpu.memory_space<vmem>>, vector<64x16384xf32>
    %convert_element_type3A = arith.truncf %get3A_1 : vector<64x16384xf32> to vector<64x16384xbf16>
    %bitcast3A = tpu.bitcast %convert_element_type3A : vector<64x16384xbf16> -> vector<32x16384xi32>
    %transpose3A = tpu.transpose %bitcast3A, [1, 0] : vector<32x16384xi32> -> vector<16384x32xi32>
    %slice3A = vector.extract_strided_slice %transpose3A {offsets = [0, 0], sizes = [4096, 32], strides = [1, 1]} : vector<16384x32xi32> to vector<4096x32xi32>
    %swap3A = arith.constant 0 : index
    %swap3A_2 = arith.constant 0 : index
    %swap3A_3 = vector.load %arg2[%swap3A, %swap3A_2] : memref<4096x128xi32, #tpu.memory_space<vmem>>, vector<4096x32xi32>
    tpu.vector_store %arg2[%swap3A, %swap3A_2], %slice3A {strides = array<i32>} : memref<4096x128xi32, #tpu.memory_space<vmem>>, vector<4096x32xi32>,
    %slice3A_4 = vector.extract_strided_slice %transpose3A {offsets = [4096, 0], sizes = [4096, 32], strides = [1, 1]} : vector<16384x32xi32> to vector<4096x32xi32>
    %swap3A_5 = arith.constant 0 : index
    %swap3A_6 = arith.constant 32 : index
    %swap3A_7 = vector.load %arg2[%swap3A_5, %swap3A_6] : memref<4096x128xi32, #tpu.memory_space<vmem>>, vector<4096x32xi32>
    tpu.vector_store %arg2[%swap3A_5, %swap3A_6], %slice3A_4 {strides = array<i32>} : memref<4096x128xi32, #tpu.memory_space<vmem>>, vector<4096x32xi32>,
    %slice3A_8 = vector.extract_strided_slice %transpose3A {offsets = [8192, 0], sizes = [4096, 32], strides = [1, 1]} : vector<16384x32xi32> to vector<4096x32xi32>
    %swap3A_9 = arith.constant 0 : index
    %swap3A_10 = arith.constant 64 : index
    %swap3A_11 = vector.load %arg2[%swap3A_9, %swap3A_10] : memref<4096x128xi32, #tpu.memory_space<vmem>>, vector<4096x32xi32>
    tpu.vector_store %arg2[%swap3A_9, %swap3A_10], %slice3A_8 {strides = array<i32>} : memref<4096x128xi32, #tpu.memory_space<vmem>>, vector<4096x32xi32>,
    %slice3A_12 = vector.extract_strided_slice %transpose3A {offsets = [12288, 0], sizes = [4096, 32], strides = [1, 1]} : vector<16384x32xi32> to vector<4096x32xi32>
    %swap3A_13 = arith.constant 0 : index
    %swap3A_14 = arith.constant 96 : index
    %swap3A_15 = vector.load %arg2[%swap3A_13, %swap3A_14] : memref<4096x128xi32, #tpu.memory_space<vmem>>, vector<4096x32xi32>
    tpu.vector_store %arg2[%swap3A_13, %swap3A_14], %slice3A_12 {strides = array<i32>} : memref<4096x128xi32, #tpu.memory_space<vmem>>, vector<4096x32xi32>,
    return
  }
  func.func @transform_0(%arg0: i32) -> (i32, i32) {
    %c0_i32 = arith.constant 0 : i32
    %c0_i32_0 = arith.constant 0 : i32
    return %c0_i32, %arg0 : i32, i32
  }
  func.func @transform_1(%arg0: i32) -> (i32, i32) {
    %c0_i32 = arith.constant 0 : i32
    %c0_i32_0 = arith.constant 0 : i32
    return %arg0, %c0_i32 : i32, i32
  }
}

module attributes {stable_mosaic.version = 14 : i64} {
  func.func @_linear_body(%arg0: i32, %arg1: i32, %arg2: memref<131072xi32, #tpu.memory_space<vmem>>, %arg3: memref<64x64xbf16, #tpu.memory_space<vmem>>, %arg4: memref<64x1xf32, #tpu.memory_space<vmem>>, %arg5: memref<1x64x4096xf32, #tpu.memory_space<vmem>>) attributes {dimension_semantics = [#tpu.dimension_semantics<arbitrary>, #tpu.dimension_semantics<arbitrary>], iteration_bounds = array<i64: 50, 4>, scalar_prefetch = 0 : i64, scratch_operands = 0 : i64, tpu.core_type = #tpu.core_type<tc>, window_params = [{transform_indices = @transform_0, window_bounds = array<i64: 131072>}, {pipeline_mode = #tpu.pipeline_mode<synchronous>, transform_indices = @transform_1, window_bounds = array<i64: 64, 64>}, {pipeline_mode = #tpu.pipeline_mode<synchronous>, transform_indices = @transform_2, window_bounds = array<i64: 64, 1>}, {transform_indices = @transform_3, window_bounds = array<i64: 1, 64, 4096>}]} {
    %get3A = arith.constant 0 : index
    %get3A_0 = vector.load %arg2[%get3A] : memref<131072xi32, #tpu.memory_space<vmem>>, vector<131072xi32>
    %reshape3A = vector.shape_cast %get3A_0 : vector<131072xi32> to vector<1024x128xi32>
    %transpose3A = tpu.transpose %reshape3A, [1, 0] : vector<1024x128xi32> -> vector<128x1024xi32>
    %bitcast3A = tpu.bitcast %transpose3A : vector<128x1024xi32> -> vector<256x1024xbf16>
    %slice3A = vector.extract_strided_slice %bitcast3A {offsets = [0, 0], sizes = [64, 1024], strides = [1, 1]} : vector<256x1024xbf16> to vector<64x1024xbf16>
    %get3A_1 = arith.constant 0 : index
    %get3A_2 = arith.constant 0 : index
    %get3A_3 = vector.load %arg3[%get3A_1, %get3A_2] : memref<64x64xbf16, #tpu.memory_space<vmem>>, vector<64x64xbf16>
    %dot_general3A = arith.constant dense<0.000000e+00> : vector<64x1024xf32>
    %dot_general3A_4 = tpu.matmul %get3A_3, %slice3A, %dot_general3A {dimension_numbers = #tpu.dot_dimension_numbers<[1], [0], [0], [1], [0, 0, 1, 1], [], []>, transpose_lhs_hint = false} : vector<64x64xbf16>, vector<64x1024xbf16>, vector<64x1024xf32> -> vector<64x1024xf32>
    %get3A_5 = arith.constant 0 : index
    %get3A_6 = arith.constant 0 : index
    %get3A_7 = vector.load %arg4[%get3A_5, %get3A_6] : memref<64x1xf32, #tpu.memory_space<vmem>>, vector<64x1xf32>
    %add3A = vector.broadcast %get3A_7 : vector<64x1xf32> to vector<64x1024xf32>
    %add3A_8 = arith.addf %dot_general3A_4, %add3A : vector<64x1024xf32>
    %max3A = arith.constant 0.000000e+00 : f32
    %max3A_9 = vector.broadcast %max3A : f32 to vector<64x1024xf32>
    %max3A_10 = arith.maximumf %add3A_8, %max3A_9 : vector<64x1024xf32>
    %swap3A = arith.constant 0 : index
    %swap3A_11 = arith.constant 0 : index
    %swap3A_12 = arith.constant 0 : index
    %swap3A_13 = vector.load %arg5[%swap3A, %swap3A_11, %swap3A_12] : memref<1x64x4096xf32, #tpu.memory_space<vmem>>, vector<1x64x1024xf32>
    %swap3A_14 = vector.shape_cast %swap3A_13 : vector<1x64x1024xf32> to vector<64x1024xf32>
    %swap3A_15 = vector.shape_cast %max3A_10 : vector<64x1024xf32> to vector<1x64x1024xf32>
    tpu.vector_store %arg5[%swap3A, %swap3A_11, %swap3A_12], %swap3A_15 {strides = array<i32>} : memref<1x64x4096xf32, #tpu.memory_space<vmem>>, vector<1x64x1024xf32>,
    %slice3A_16 = vector.extract_strided_slice %bitcast3A {offsets = [64, 0], sizes = [64, 1024], strides = [1, 1]} : vector<256x1024xbf16> to vector<64x1024xbf16>
    %get3A_17 = arith.constant 0 : index
    %get3A_18 = arith.constant 0 : index
    %get3A_19 = vector.load %arg3[%get3A_17, %get3A_18] : memref<64x64xbf16, #tpu.memory_space<vmem>>, vector<64x64xbf16>
    %dot_general3A_20 = arith.constant dense<0.000000e+00> : vector<64x1024xf32>
    %dot_general3A_21 = tpu.matmul %get3A_19, %slice3A_16, %dot_general3A_20 {dimension_numbers = #tpu.dot_dimension_numbers<[1], [0], [0], [1], [0, 0, 1, 1], [], []>, transpose_lhs_hint = false} : vector<64x64xbf16>, vector<64x1024xbf16>, vector<64x1024xf32> -> vector<64x1024xf32>
    %get3A_22 = arith.constant 0 : index
    %get3A_23 = arith.constant 0 : index
    %get3A_24 = vector.load %arg4[%get3A_22, %get3A_23] : memref<64x1xf32, #tpu.memory_space<vmem>>, vector<64x1xf32>
    %add3A_25 = vector.broadcast %get3A_24 : vector<64x1xf32> to vector<64x1024xf32>
    %add3A_26 = arith.addf %dot_general3A_21, %add3A_25 : vector<64x1024xf32>
    %max3A_27 = arith.constant 0.000000e+00 : f32
    %max3A_28 = vector.broadcast %max3A_27 : f32 to vector<64x1024xf32>
    %max3A_29 = arith.maximumf %add3A_26, %max3A_28 : vector<64x1024xf32>
    %swap3A_30 = arith.constant 0 : index
    %swap3A_31 = arith.constant 0 : index
    %swap3A_32 = arith.constant 1024 : index
    %swap3A_33 = vector.load %arg5[%swap3A_30, %swap3A_31, %swap3A_32] : memref<1x64x4096xf32, #tpu.memory_space<vmem>>, vector<1x64x1024xf32>
    %swap3A_34 = vector.shape_cast %swap3A_33 : vector<1x64x1024xf32> to vector<64x1024xf32>
    %swap3A_35 = vector.shape_cast %max3A_29 : vector<64x1024xf32> to vector<1x64x1024xf32>
    tpu.vector_store %arg5[%swap3A_30, %swap3A_31, %swap3A_32], %swap3A_35 {strides = array<i32>} : memref<1x64x4096xf32, #tpu.memory_space<vmem>>, vector<1x64x1024xf32>,
    %slice3A_36 = vector.extract_strided_slice %bitcast3A {offsets = [128, 0], sizes = [64, 1024], strides = [1, 1]} : vector<256x1024xbf16> to vector<64x1024xbf16>
    %get3A_37 = arith.constant 0 : index
    %get3A_38 = arith.constant 0 : index
    %get3A_39 = vector.load %arg3[%get3A_37, %get3A_38] : memref<64x64xbf16, #tpu.memory_space<vmem>>, vector<64x64xbf16>
    %dot_general3A_40 = arith.constant dense<0.000000e+00> : vector<64x1024xf32>
    %dot_general3A_41 = tpu.matmul %get3A_39, %slice3A_36, %dot_general3A_40 {dimension_numbers = #tpu.dot_dimension_numbers<[1], [0], [0], [1], [0, 0, 1, 1], [], []>, transpose_lhs_hint = false} : vector<64x64xbf16>, vector<64x1024xbf16>, vector<64x1024xf32> -> vector<64x1024xf32>
    %get3A_42 = arith.constant 0 : index
    %get3A_43 = arith.constant 0 : index
    %get3A_44 = vector.load %arg4[%get3A_42, %get3A_43] : memref<64x1xf32, #tpu.memory_space<vmem>>, vector<64x1xf32>
    %add3A_45 = vector.broadcast %get3A_44 : vector<64x1xf32> to vector<64x1024xf32>
    %add3A_46 = arith.addf %dot_general3A_41, %add3A_45 : vector<64x1024xf32>
    %max3A_47 = arith.constant 0.000000e+00 : f32
    %max3A_48 = vector.broadcast %max3A_47 : f32 to vector<64x1024xf32>
    %max3A_49 = arith.maximumf %add3A_46, %max3A_48 : vector<64x1024xf32>
    %swap3A_50 = arith.constant 0 : index
    %swap3A_51 = arith.constant 0 : index
    %swap3A_52 = arith.constant 2048 : index
    %swap3A_53 = vector.load %arg5[%swap3A_50, %swap3A_51, %swap3A_52] : memref<1x64x4096xf32, #tpu.memory_space<vmem>>, vector<1x64x1024xf32>
    %swap3A_54 = vector.shape_cast %swap3A_53 : vector<1x64x1024xf32> to vector<64x1024xf32>
    %swap3A_55 = vector.shape_cast %max3A_49 : vector<64x1024xf32> to vector<1x64x1024xf32>
    tpu.vector_store %arg5[%swap3A_50, %swap3A_51, %swap3A_52], %swap3A_55 {strides = array<i32>} : memref<1x64x4096xf32, #tpu.memory_space<vmem>>, vector<1x64x1024xf32>,
    %slice3A_56 = vector.extract_strided_slice %bitcast3A {offsets = [192, 0], sizes = [64, 1024], strides = [1, 1]} : vector<256x1024xbf16> to vector<64x1024xbf16>
    %get3A_57 = arith.constant 0 : index
    %get3A_58 = arith.constant 0 : index
    %get3A_59 = vector.load %arg3[%get3A_57, %get3A_58] : memref<64x64xbf16, #tpu.memory_space<vmem>>, vector<64x64xbf16>
    %dot_general3A_60 = arith.constant dense<0.000000e+00> : vector<64x1024xf32>
    %dot_general3A_61 = tpu.matmul %get3A_59, %slice3A_56, %dot_general3A_60 {dimension_numbers = #tpu.dot_dimension_numbers<[1], [0], [0], [1], [0, 0, 1, 1], [], []>, transpose_lhs_hint = false} : vector<64x64xbf16>, vector<64x1024xbf16>, vector<64x1024xf32> -> vector<64x1024xf32>
    %get3A_62 = arith.constant 0 : index
    %get3A_63 = arith.constant 0 : index
    %get3A_64 = vector.load %arg4[%get3A_62, %get3A_63] : memref<64x1xf32, #tpu.memory_space<vmem>>, vector<64x1xf32>
    %add3A_65 = vector.broadcast %get3A_64 : vector<64x1xf32> to vector<64x1024xf32>
    %add3A_66 = arith.addf %dot_general3A_61, %add3A_65 : vector<64x1024xf32>
    %max3A_67 = arith.constant 0.000000e+00 : f32
    %max3A_68 = vector.broadcast %max3A_67 : f32 to vector<64x1024xf32>
    %max3A_69 = arith.maximumf %add3A_66, %max3A_68 : vector<64x1024xf32>
    %swap3A_70 = arith.constant 0 : index
    %swap3A_71 = arith.constant 0 : index
    %swap3A_72 = arith.constant 3072 : index
    %swap3A_73 = vector.load %arg5[%swap3A_70, %swap3A_71, %swap3A_72] : memref<1x64x4096xf32, #tpu.memory_space<vmem>>, vector<1x64x1024xf32>
    %swap3A_74 = vector.shape_cast %swap3A_73 : vector<1x64x1024xf32> to vector<64x1024xf32>
    %swap3A_75 = vector.shape_cast %max3A_69 : vector<64x1024xf32> to vector<1x64x1024xf32>
    tpu.vector_store %arg5[%swap3A_70, %swap3A_71, %swap3A_72], %swap3A_75 {strides = array<i32>} : memref<1x64x4096xf32, #tpu.memory_space<vmem>>, vector<1x64x1024xf32>,
    return
  }
  func.func @transform_0(%arg0: i32, %arg1: i32) -> i32 {
    %mul3A = arith.constant 4 : i32
    %mul3A_0 = arith.muli %arg0, %mul3A : i32
    %add3A = arith.addi %mul3A_0, %arg1 : i32
    %c0_i32 = arith.constant 0 : i32
    return %add3A : i32
  }
  func.func @transform_1(%arg0: i32, %arg1: i32) -> (i32, i32) {
    %c0_i32 = arith.constant 0 : i32
    %c0_i32_0 = arith.constant 0 : i32
    %c0_i32_1 = arith.constant 0 : i32
    return %c0_i32, %c0_i32_0 : i32, i32
  }
  func.func @transform_2(%arg0: i32, %arg1: i32) -> (i32, i32) {
    %c0_i32 = arith.constant 0 : i32
    %c0_i32_0 = arith.constant 0 : i32
    %c0_i32_1 = arith.constant 0 : i32
    return %c0_i32, %c0_i32_0 : i32, i32
  }
  func.func @transform_3(%arg0: i32, %arg1: i32) -> (i32, i32, i32) {
    %c0_i32 = arith.constant 0 : i32
    %c0_i32_0 = arith.constant 0 : i32
    return %arg0, %c0_i32, %arg1 : i32, i32, i32
  }
}

</mosaic_0001>

<sc_bundles>
// kernel: kernel.5.cloned.1.call-start
scs
__scs_entry_jumppad:
0x0: {  	(pc) =	sbr.rel $0x88, $3  }
0x1: {  	(tag) =	ssettag $0x0;
	lr =	simm.s32 $0x1  }
0x2: {  	[smem:$0x3F9D] =	sst lr;
	_ =	strace $0xD0000000  }
0x3: {  	_ = 	snop  }
0x4: {  	_ = 	snop  }
0x5: {  	_ = 	snop  }
0x6: {  	_ = 	snop  }
0x7: {  	_ = 	snop  }
__scs_overlays_trampoline_lowered:
0x8: {  	[smem:$0x3FAC] =	sst s0  }
0x9: {  	[smem:$0x3FAD] =	sst s1  }
0xa: {  	[smem:$0x3FAE] =	sst s2  }
0xb: {  	[smem:$0x3FAF] =	sst s3  }
0xc: {  	[smem:$0x3FB0] =	sst s4  }
0xd: {  	[smem:$0x3FB1] =	sst s5  }
0xe: {  	[smem:$0x3FB2] =	sst s6  }
0xf: {  	[smem:$0x3FB3] =	sst s7  }
0x10: {  	[smem:$0x3FB4] =	sst s8  }
0x11: {  	[smem:$0x3FB5] =	sst s9;
	s0 =	simm.s32 @!p0 $0x0  }
0x12: {  	s1 =	sld [smem:$0x3F9B];
	s0 =	simm.s32 @p0 $0x1  }
0x13: {  	[smem:$0x3FB6] =	sst s0;
	s0 =	simm.s32 @!p1 $0x0  }
0x14: {  	s2 =	sld [smem:$0x3F9A];
	s0 =	simm.s32 @p1 $0x1  }
0x15: {  	[smem:$0x3FB7] =	sst s0;
	s0 =	simm.s32 @!p2 $0x0  }
0x16: {  	s3 =	sld [smem:$0x3FDB];
	s0 =	simm.s32 @p2 $0x1  }
0x17: {  	s4 =	simm.s32 $0x1BF5;
	[smem:$0x3FB9] =	sst s0  }
0x18: {  	s0 =	sld [smem:$0x3F9C];
	_ =	swait.ge [sflag:s4], $0x0  }
0x19: {  	s7 =	sld [smem:$0x3F9D]  }
0x1a: {  	s8 =	sadd.s32 $0xFFFFE003, lr  }
0x1b: {  	s9 =	sadd.s32 $0xFFFFFEF7, lr;
	s5 =	simm.s32 $0xFFFFFFFF;
	p2 =	slt.u32 s8, $0xFFFFF086  }
0x1c: {  	p1 =	slt.u32 s9, $0xF7A;
	s5 =	simm.s32 @!p2 $0x0  }
0x1d: {  	s5 =	simm.s32 @p1 $0x1;
	p0 =	seq.s32 s7, s2  }
0x1e: {  	s7 =	smul.u32 @!p0 $0xF7A, s2;
	p2 =	seq.s32 @!p0 s5, $0x0  }
0x1f: {  	s9 =	smul.u32 $0xF7A, s1;
	s8 =	simm.s32 @!p0 $0x1BF5;
	p2 =	por !p2, p0  }
0x20: {  	[sflag:s8] =	ssyncset.s32 @!p0 $0xFFFFF086;
	s6 =	sadd.s32 @!p0 s3, s7;
	s7 =	simm.s32 @!p0 $0x108  }
0x21: {  	s3 =	sadd.s32 s3, s9;
	s6 =	sadd.s32 @!p0 $0x88, s6;
	s7 =	simm.s32 @p2 $0x1082  }
0x22: {  	[simem:s7], [sflag:s8] =	dma.local @!p0 [hbm:s6], $0xF7A  }
0x23: {  	s9 =	sor.u32 $0xD0000000, s2;
	s6 =	simm.s32 $0x108;
	_ =	swait.ge @!p0 [sflag:s8], $0x0  }
0x24: {  	s3 =	sadd.s32 $0x88, s3;
	s6 =	simm.s32 @!p1 $0x1082;
	[sflag:s4] =	ssyncset.s32 $0xFFFFF086  }
0x25: {  	[simem:s6], [sflag:s4] =	dma.local [hbm:s3], $0xF7A  }
0x26: {  	[smem:$0x3F9D] =	sst s1;
	(tag) =	ssettag s2;
	_ =	strace s9  }
0x27: {  	s1 =	sld [smem:$0x3FAD]  }
0x28: {  	s2 =	sld [smem:$0x3FAE]  }
0x29: {  	s4 =	sld [smem:$0x3FB0]  }
0x2a: {  	p0 =	seq.s32 s5, $0x0;
	s5 =	sld [smem:$0x3FB1]  }
0x2b: {  	s6 =	sld [smem:$0x3FB2]  }
0x2c: {  	s7 =	sld [smem:$0x3FB3]  }
0x2d: {  	s3 =	simm.s32 $0x108;
	s8 =	sld [smem:$0x3FB4]  }
0x2e: {  	s3 =	simm.s32 @!p0 $0x1082;
	s9 =	sld [smem:$0x3FB5]  }
0x2f: {  	lr =	sadd.s32 s0, s3;
	s0 =	sld [smem:$0x3FAC]  }
0x30: {  	s3 =	sld [smem:$0x3FAF]  }
0x31: {  	[smem:$0x3FB8] =	sst s10  }
0x32: {  	s10 =	sld [smem:$0x3FB6];
	_ =	sdelay $0x3  }
0x33: {  	p0 =	seq.s32 s10, $0x1;
	s10 =	sld [smem:$0x3FB8];
	_ =	sdelay $0x3  }
0x34: {  	[smem:$0x3FB8] =	sst s10  }
0x35: {  	s10 =	sld [smem:$0x3FB7];
	_ =	sdelay $0x3  }
0x36: {  	p1 =	seq.s32 s10, $0x1;
	s10 =	sld [smem:$0x3FB8];
	_ =	sdelay $0x3  }
0x37: {  	[smem:$0x3FB8] =	sst s10  }
0x38: {  	s10 =	sld [smem:$0x3FB9]  }
0x39: {  	_ = 	snop;
	(pc) =	sbr.ind lr, $3  }
0x3a: {  	_ = 	snop  }
0x3b: {  	_ = 	snop  }
0x3c: {  	p2 =	seq.s32 s10, $0x1;
	s10 =	sld [smem:$0x3FB8]  }
0x3d: {  	_ =	shalt  }
0x3e: {  	_ =	shalt  }
0x3f: {  	_ =	shalt  }
0x40: {  	_ =	shalt  }
0x41: {  	_ =	shalt  }
0x42: {  	_ =	shalt  }
0x43: {  	_ =	shalt  }
0x44: {  	_ =	shalt  }
0x45: {  	_ =	shalt  }
0x46: {  	_ =	shalt  }
0x47: {  	_ =	shalt  }
0x48: {  	_ =	shalt  }
0x49: {  	_ =	shalt  }
0x4a: {  	_ =	shalt  }
0x4b: {  	_ =	shalt  }
0x4c: {  	_ =	shalt  }
0x4d: {  	_ =	shalt  }
0x4e: {  	_ =	shalt  }
0x4f: {  	_ =	shalt  }
0x50: {  	_ =	shalt  }
0x51: {  	_ =	shalt  }
0x52: {  	_ =	shalt  }
0x53: {  	_ =	shalt  }
0x54: {  	_ =	shalt  }
0x55: {  	_ =	shalt  }
0x56: {  	_ =	shalt  }
0x57: {  	_ =	shalt  }
0x58: {  	_ =	shalt  }
0x59: {  	_ =	shalt  }
0x5a: {  	_ =	shalt  }
0x5b: {  	_ =	shalt  }
0x5c: {  	_ =	shalt  }
0x5d: {  	_ =	shalt  }
0x5e: {  	_ =	shalt  }
0x5f: {  	_ =	shalt  }
0x60: {  	_ =	shalt  }
0x61: {  	_ =	shalt  }
0x62: {  	_ =	shalt  }
0x63: {  	_ =	shalt  }
0x64: {  	_ =	shalt  }
0x65: {  	_ =	shalt  }
0x66: {  	_ =	shalt  }
0x67: {  	_ =	shalt  }
0x68: {  	_ =	shalt  }
0x69: {  	_ =	shalt  }
0x6a: {  	_ =	shalt  }
0x6b: {  	_ =	shalt  }
0x6c: {  	_ =	shalt  }
0x6d: {  	_ =	shalt  }
0x6e: {  	_ =	shalt  }
0x6f: {  	_ =	shalt  }
0x70: {  	_ =	shalt  }
0x71: {  	_ =	shalt  }
0x72: {  	_ =	shalt  }
0x73: {  	_ =	shalt  }
0x74: {  	_ =	shalt  }
0x75: {  	_ =	shalt  }
0x76: {  	_ =	shalt  }
0x77: {  	_ =	shalt  }
0x78: {  	_ =	shalt  }
0x79: {  	_ =	shalt  }
0x7a: {  	_ =	shalt  }
0x7b: {  	_ =	shalt  }
0x7c: {  	_ =	shalt  }
0x7d: {  	_ =	shalt  }
0x7e: {  	_ =	shalt  }
0x7f: {  	_ =	shalt  }
0x80: {  	_ =	shalt  }
0x81: {  	_ =	shalt  }
0x82: {  	_ =	shalt  }
0x83: {  	_ =	shalt  }
0x84: {  	_ =	shalt  }
0x85: {  	_ =	shalt  }
0x86: {  	_ =	shalt  }
0x87: {  	_ =	shalt  }
.Lfunc_end0:
.L_simem_size_0:
called_computation_lowered:
.L_overlay_start_0:
0x88: {  	s2 =	sld [smem:$0x3FD9]  }
0x89: {  	s3 =	sld [smem:$0x3FFE];
	_ =	sdelay $0x1  }
0x8a: {  	s1 =	srdreg.scid  }
0x8b: {  	s0 =	sand.u32 $0x1, s1  }
0x8c: {  	s17 =	sshll.u32 s0, $0xA;
	s2 =	sadd.s32 s3, s2  }
0x8d: {  	s2 =	sadd.s32 s2, s17  }
0x8e: {  	[smem:$0x3FC4] =	sst s2  }
0x8f: {  	_ = 	snop  }
0x90: {  	s2 =	sld [smem:$0x3FD0];
	(tm) =	ssettm $0x1  }
0x91: {  	s18 =	sld [smem:$0x3FFB];
	_ =	sdelay $0x3  }
0x92: {  	_ =	strace s18  }
0x93: {  	s3 =	sld [smem:$0x3FFC];
	_ =	sdelay $0x3  }
0x94: {  	_ =	strace s3  }
0x95: {  	s3 =	sld [smem:$0x3FFD];
	_ =	sdelay $0x3  }
0x96: {  	_ =	strace s3  }
0x97: {  	_ =	strace $0x8FFFFFFF  }
0x98: {  	s19 =	sld [smem:$0x3FDB];
	_ =	sdelay $0x1  }
0x99: {  	s4 =	simm.s32 $_scs_section_size  }
0x9a: {  	s5 =	simm.s32 $_size__tile_overlayer_lowered;
	s6 =	simm.s32 $_tile_overlayer_lowered  }
0x9b: {  	s22 =	simm.s32 $0x1BFF;
	s21 =	sshll.u32 s6, $0x1;
	s3 =	sadd.s32 s4, s19  }
0x9c: {  	s7 =	simm.s32 $0x0;
	s20 =	sshll.u32 s5, $0x1;
	s5 =	sadd.s32 s21, s3  }
0x9d: {  	[timem:s7], [sflag:s22] =	dma.local [hbm:s5], s20  }
0x9e: {  	_ =	swait.ge [sflag:s22], s20  }
0x9f: {  	s4 =	ssub.s32 $0x0, s20;
	[sflag:s22] =	ssyncset.done $0x0  }
0xa0: {  	[sflag:s22] =	ssyncadd.s32 s4;
	_ =	sdelay $0x1  }
0xa1: {  	s23 =	simm.s32 $0x1B8B  }
0xa2: {  	_ =	swait.ge [sflag:s23], $0x1  }
0xa3: {  	[sflag:s23] =	ssyncset.done $0x0  }
0xa4: {  	s25 =	simm.s32 $0x1B8E;
	s24 =	sld [smem:$0x3FFE];
	[sflag:s23] =	ssyncadd.s32 $0xFFFFFFFF  }
0xa5: {  	s26 =	simm.s32 $execute0_lowered;
	[smem:$0x3FD2] =	sst s25  }
0xa6: {  	s5 =	sshll.u32 s26, $0x1;
	_ =	strace $0x80000046;
	[dreg:$0x1] =	wrdreg $0xFFFFFFFF  }
0xa7: {  	s28 =	simm.s32 $_size_execute0_lowered;
	s3 =	sadd.s32 s3, s5;
	[dreg:$0x0] =	wrdreg $0x0  }
0xa8: {  	s5 =	sshll.u32 s28, $0x1;
	[dreg:$0x2] =	wrdreg s3  }
0xa9: {  	[dreg:$0x3] =	wrdreg s5  }
0xaa: {  	[dreg:$0x4] =	wrdreg $0xC0  }
0xab: {  	_ =	task [dreg:s7], $0x5FFFF  }
0xac: {  	[dreg:$0x1] =	wrdreg $0xFFFFFFFF  }
0xad: {  	[dreg:$0x0] =	wrdreg $0x60  }
0xae: {  	[dreg:$0x2] =	wrdreg s2  }
0xaf: {  	[dreg:$0x3] =	wrdreg s24  }
0xb0: {  	[dreg:$0x4] =	wrdreg $0x9  }
0xb1: {  	_ =	task.clear_ibuf [dreg:s7], $0x5FFFF;
	_ =	strace $0x90000046  }
0xb2: {  	s29 =	simm.s32 $0x9;
	_ =	strace $0x80000048  }
0xb3: {  	_ =	swait.ge [sflag:s29], $0x1  }
0xb4: {  	[sflag:s29] =	ssyncadd.s32 $0xFFFFFFFF  }
0xb5: {  	_ =	strace $0x90000048  }
0xb6: {  	_ =	sfence  }
0xb7: {  	s30 =	sld [smem:$0x0];
	_ =	sdelay $0x2  }
0xb8: {  	s31 =	sshll.u32 s1, $0xD;
	s1 =	sshrl.u32 s1, $0x2  }
0xb9: {  	s3 =	sand.u32 $0x4000, s31;
	s1 =	sadd.s32 s1, s30  }
0xba: {  	s0 =	sor.u32 s3, s0;
	s1 =	sshll.u32 s1, $0x11  }
0xbb: {  	s0 =	sor.u32 s1, s0  }
0xbc: {  	s0 =	sadd.s32 $0x8F2B, s0  }
0xbd: {  	[sflag:s0] =	ssyncadd.remote.s32 $0x1  }
0xbe: {  	_ =	sfence.sel $0xFFFF  }
0xbf: {  	[dreg:$0x0] =	wrdreg $0xFFFFFFFF;
	(pc) =	sbr.abs _section_cstart, $3  }
0xc0: {  	[dreg:$0x1] =	wrdreg $0xFFFFFFFF  }
0xc1: {  	_ =	task.clear_ibuf [dreg:s7], $0x2FFFF;
	_ =	strace $0x9FFFFFFF  }
0xc2: {  	(tm) =	ssettm $0x7FFFFFFF  }
0xc3: {  	_ =	shalt  }
tec
execute0_lowered:
.L_overlay_start_1:
0x0: {  	(tag) =	ssettag $0x1  }
0x1: {  	s2 =	rddreg [dreg:$0x0]  }
0x2: {  	s1 =	srdreg.scid;
	s0 =	stileid.u32  }
0x3: {  	s4 =	rddreg [dreg:$0x1];
	s25 =	simm.s32 $0x7000;
	s26 =	simm.s32 $0x7080  }
0x4: {  	v0 =	vimm.s32 $0xC03;
	vm0 =	vcmask $0x300;
	s28 =	simm.s32 $0x8200;
	s6 =	sand.u32 $0x1, s1;
	s3 =	sshll.u32 s0, $0x1  }
0x5: {  	vm14 =	vcmask $0x704;
	s1 =	rddreg [dreg:$0x2];
	v0 =	vsel vm0, $0x0, v0;
	s5 =	sor.u32 s6, s3;
	s3 =	simm.s32 $0x0  }
0x6: {  	vm15 =	vcmask $0xB08;
	s29 =	simm.s32 $0x7100;
	s30 =	simm.s32 $0x9200;
	v0 =	vsel vm14, $0x400, v0;
	[smem:$0x7FF] =	sst s3  }
0x7: {  	vm4 =	vcmask $0xF0C;
	s11 =	simm.s32 $0x7180;
	v0 =	vsel vm15, $0x800, v0;
	_ =	strace $0x80000047;
	[dreg:$0x4] =	wrdreg s25  }
0x8: {  	vm5 =	vcmask $0x1310;
	s31 =	simm.s32 $0xA200;
	s12 =	simm.s32 $0x0;
	v0 =	vsel vm4, $0xC00, v0;
	[dreg:$0x6] =	wrdreg s26  }
0x9: {  	vm6 =	vcmask $0x1714;
	s21 =	sshll.u32 s0, $0xB;
	s9 =	smul.u32 $0x32000, s0;
	[dreg:$0x5] =	wrdreg s28;
	v0 =	vsel vm5, $0x1, v0  }
0xa: {  	vm7 =	vcmask $0x1B18;
	s8 =	sshll.u32 s6, $0xA;
	s24 =	smul.u32 $0x19000, s6;
	[dreg:$0x8] =	wrdreg s29;
	v0 =	vsel vm6, $0x401, v0  }
0xb: {  	vm8 =	vcmask $0x1F1C;
	s10 =	ssub.s32 $0x2, s6;
	s7 =	smul.u32 $0x6400, s5;
	[dreg:$0x7] =	wrdreg s30;
	v0 =	vsel vm7, $0x801, v0  }
0xc: {  	vm9 =	vcmask $0x2320;
	s5 =	sshll.u32 s5, $0xA;
	s22 =	sshrl.u32 s10, $0x1;
	[dreg:$0xa] =	wrdreg s11;
	v0 =	vsel vm8, $0xC01, v0  }
0xd: {  	vm10 =	vcmask $0x2724;
	s9 =	sadd.s32 s9, s4;
	s5 =	sand.u32 $0xC00, s5;
	[dreg:$0x9] =	wrdreg s31;
	v0 =	vsel vm9, $0x2, v0  }
0xe: {  	vm11 =	vcmask $0x2B28;
	s11 =	simm.s32 $0x1;
	s5 =	ssub.s32 s7, s5;
	s7 =	sor.u32 s8, s21;
	v0 =	vsel vm10, $0x402, v0  }
0xf: {  	vm12 =	vcmask $0x2F2C;
	s8 =	ssub.s32 s10, s22;
	s5 =	sshrl.u32 s5, $0x3;
	s7 =	sshrl.u32 s7, $0xA;
	v0 =	vsel vm11, $0x802, v0  }
0x10: {  	vm13 =	vcmask $0x3330;
	s10 =	simm.s32 $0x7200;
	s5 =	sadd.s32 s5, s4;
	s7 =	sand.u32 $0x3, s7;
	v0 =	vsel vm12, $0xC02, v0  }
0x11: {  	vm14 =	vcmask $0x3734;
	s4 =	sadd.s32 $0x800, s5;
	s5 =	smax.u32 s8, $0x1;
	s23 =	sshll.u32 s7, $0x8;
	v0 =	vsel vm13, $0x3, v0  }
0x12: {  	vm15 =	vcmask $0x3B38;
	s6 =	sshll.u32 s7, $0xA;
	s8 =	sadd.s32 s24, s9;
	s9 =	simm.s32 $0x80;
	v0 =	vsel vm14, $0x403, v0  }
0x13: {  	[dreg:$0x3] =	wrdreg s23;
	s7 =	sadd.s32 $0x19800, s8;
	s8 =	simm.s32 $0x2;
	v0 =	vsel vm15, $0x803, v0  }
.LBB2_1:
0x14: {  	[tilespmem:s3], [sflag:$0x2] =	stream.linear.gather [hbm4b:s4+s3], $0x7000, $0x38;
	[tilespmem:$0xB200] =	vst v63  }
0x15: {  	_ =	swait.ge [sflag:s8], $0x7000  }
0x16: {  	s13 =	smov.u32 s7;
	[sflag:s8] =	ssyncset.done $0x0  }
0x17: {  	s14 =	smov.u32 s6;
	s15 =	simm.s32 $0x0;
	[sflag:s8] =	ssyncadd.s32 $0xFFFF9000  }
.LBB2_2:
0x18: {  	s16 =	rddreg [dreg:$0x3]  }
0x19: {  	s16 =	sadd.s32 s15, s16  }
0x1a: {  	s17 =	sand.u32 $0xF000, s14;
	s16 =	sand.u32 $0x380, s16  }
0x1b: {  	s16 =	sor.u32 s17, s16  }
0x1c: {  	v1 =	vor.u32 s16, v0;
	_ =	sdelay $0x4  }
0x1d: {  	v1 =	vld.idx.msk [tilespmem:v1+s3+$0x0], $0xffff;
	_ =	sdelay $0x3  }
0x1e: {  	s17 =	sor.u32 $0x4, s16  }
0x1f: {  	v3 =	vor.u32 s17, v0;
	v2 =	vshll.u32 v1, $0x2  }
0x20: {  	v4 =	vand.u32 $0xFFFFC000, v1;
	v1 =	vshrl.u32 v1, $0xC;
	v2 =	vand.u32 $0x3FFC, v2  }
0x21: {  	v1 =	vand.u32 $0x3, v1;
	v2 =	vor.u32 v4, v2  }
0x22: {  	v1 =	vor.u32 v1, v2  }
0x23: {  	[tilespmem:$0x7000] =	vst v1  }
0x24: {  	v1 =	vld.idx.msk [tilespmem:v3+s3+$0x0], $0xffff;
	_ =	sdelay $0x3  }
0x25: {  	s23 =	sor.u32 $0x8, s16  }
0x26: {  	v3 =	vor.u32 s23, v0;
	v2 =	vshll.u32 v1, $0x2  }
0x27: {  	v34 =	vand.u32 $0xFFFFC000, v1;
	v1 =	vshrl.u32 v1, $0xC;
	v2 =	vand.u32 $0x3FFC, v2  }
0x28: {  	v1 =	vand.u32 $0x3, v1;
	v2 =	vor.u32 v34, v2  }
0x29: {  	v1 =	vor.u32 v1, v2  }
0x2a: {  	[tilespmem:$0x7010] =	vst v1  }
0x2b: {  	v1 =	vld.idx.msk [tilespmem:v3+s3+$0x0], $0xffff;
	_ =	sdelay $0x3  }
0x2c: {  	s24 =	sor.u32 $0xC, s16  }
0x2d: {  	v3 =	vor.u32 s24, v0;
	v2 =	vshll.u32 v1, $0x2  }
0x2e: {  	v35 =	vand.u32 $0xFFFFC000, v1;
	v1 =	vshrl.u32 v1, $0xC;
	v2 =	vand.u32 $0x3FFC, v2  }
0x2f: {  	v1 =	vand.u32 $0x3, v1;
	v2 =	vor.u32 v35, v2  }
0x30: {  	v1 =	vor.u32 v1, v2  }
0x31: {  	[tilespmem:$0x7020] =	vst v1  }
0x32: {  	v1 =	vld.idx.msk [tilespmem:v3+s3+$0x0], $0xffff;
	_ =	sdelay $0x3  }
0x33: {  	s25 =	sor.u32 $0x10, s16  }
0x34: {  	v3 =	vor.u32 s25, v0;
	v2 =	vshll.u32 v1, $0x2  }
0x35: {  	v36 =	vand.u32 $0xFFFFC000, v1;
	v1 =	vshrl.u32 v1, $0xC;
	v2 =	vand.u32 $0x3FFC, v2  }
0x36: {  	v1 =	vand.u32 $0x3, v1;
	v2 =	vor.u32 v36, v2  }
0x37: {  	v1 =	vor.u32 v1, v2  }
0x38: {  	[tilespmem:$0x7030] =	vst v1  }
0x39: {  	v1 =	vld.idx.msk [tilespmem:v3+s3+$0x0], $0xffff;
	_ =	sdelay $0x3  }
0x3a: {  	s26 =	sor.u32 $0x14, s16  }
0x3b: {  	v3 =	vor.u32 s26, v0;
	v2 =	vshll.u32 v1, $0x2  }
0x3c: {  	v37 =	vand.u32 $0xFFFFC000, v1;
	v1 =	vshrl.u32 v1, $0xC;
	v2 =	vand.u32 $0x3FFC, v2  }
0x3d: {  	v1 =	vand.u32 $0x3, v1;
	v2 =	vor.u32 v37, v2  }
0x3e: {  	v1 =	vor.u32 v1, v2  }
0x3f: {  	[tilespmem:$0x7040] =	vst v1  }
0x40: {  	v1 =	vld.idx.msk [tilespmem:v3+s3+$0x0], $0xffff;
	_ =	sdelay $0x3  }
0x41: {  	s28 =	sor.u32 $0x18, s16  }
0x42: {  	v3 =	vor.u32 s28, v0;
	v2 =	vshll.u32 v1, $0x2  }
0x43: {  	v38 =	vand.u32 $0xFFFFC000, v1;
	v1 =	vshrl.u32 v1, $0xC;
	v2 =	vand.u32 $0x3FFC, v2  }
0x44: {  	v1 =	vand.u32 $0x3, v1;
	v2 =	vor.u32 v38, v2  }
0x45: {  	v1 =	vor.u32 v1, v2  }
0x46: {  	[tilespmem:$0x7050] =	vst v1  }
0x47: {  	v1 =	vld.idx.msk [tilespmem:v3+s3+$0x0], $0xffff;
	_ =	sdelay $0x3  }
0x48: {  	s29 =	sor.u32 $0x1C, s16  }
0x49: {  	v3 =	vor.u32 s29, v0;
	v2 =	vshll.u32 v1, $0x2  }
0x4a: {  	v39 =	vand.u32 $0xFFFFC000, v1;
	v1 =	vshrl.u32 v1, $0xC;
	v2 =	vand.u32 $0x3FFC, v2  }
0x4b: {  	v1 =	vand.u32 $0x3, v1;
	v2 =	vor.u32 v39, v2  }
0x4c: {  	v1 =	vor.u32 v1, v2  }
0x4d: {  	[tilespmem:$0x7060] =	vst v1  }
0x4e: {  	v1 =	vld.idx.msk [tilespmem:v3+s3+$0x0], $0xffff;
	_ =	sdelay $0x3  }
0x4f: {  	s30 =	sor.u32 $0x20, s16  }
0x50: {  	v3 =	vor.u32 s30, v0;
	v2 =	vshll.u32 v1, $0x2  }
0x51: {  	v40 =	vand.u32 $0xFFFFC000, v1;
	v1 =	vshrl.u32 v1, $0xC;
	v2 =	vand.u32 $0x3FFC, v2  }
0x52: {  	v1 =	vand.u32 $0x3, v1;
	v2 =	vor.u32 v40, v2  }
0x53: {  	v1 =	vor.u32 v1, v2  }
0x54: {  	[tilespmem:$0x7070] =	vst v1  }
0x55: {  	v1 =	vld.idx.msk [tilespmem:v3+s3+$0x0], $0xffff;
	_ =	sdelay $0x3  }
0x56: {  	s31 =	sor.u32 $0x24, s16  }
0x57: {  	v3 =	vor.u32 s31, v0;
	v2 =	vshll.u32 v1, $0x2  }
0x58: {  	v41 =	vand.u32 $0xFFFFC000, v1;
	v1 =	vshrl.u32 v1, $0xC;
	v2 =	vand.u32 $0x3FFC, v2  }
0x59: {  	v1 =	vand.u32 $0x3, v1;
	v2 =	vor.u32 v41, v2  }
0x5a: {  	v1 =	vor.u32 v1, v2  }
0x5b: {  	[tilespmem:$0x7080] =	vst v1  }
0x5c: {  	v1 =	vld.idx.msk [tilespmem:v3+s3+$0x0], $0xffff;
	_ =	sdelay $0x3  }
0x5d: {  	s18 =	sor.u32 $0x28, s16  }
0x5e: {  	v3 =	vor.u32 s18, v0;
	v2 =	vshll.u32 v1, $0x2  }
0x5f: {  	v42 =	vand.u32 $0xFFFFC000, v1;
	v1 =	vshrl.u32 v1, $0xC;
	v2 =	vand.u32 $0x3FFC, v2  }
0x60: {  	v1 =	vand.u32 $0x3, v1;
	v2 =	vor.u32 v42, v2  }
0x61: {  	v1 =	vor.u32 v1, v2  }
0x62: {  	[tilespmem:$0x7090] =	vst v1  }
0x63: {  	v1 =	vld.idx.msk [tilespmem:v3+s3+$0x0], $0xffff;
	_ =	sdelay $0x3  }
0x64: {  	s19 =	sor.u32 $0x2C, s16  }
0x65: {  	v3 =	vor.u32 s19, v0;
	v2 =	vshll.u32 v1, $0x2  }
0x66: {  	v43 =	vand.u32 $0xFFFFC000, v1;
	v1 =	vshrl.u32 v1, $0xC;
	v2 =	vand.u32 $0x3FFC, v2  }
0x67: {  	v1 =	vand.u32 $0x3, v1;
	v2 =	vor.u32 v43, v2  }
0x68: {  	v1 =	vor.u32 v1, v2  }
0x69: {  	[tilespmem:$0x70A0] =	vst v1  }
0x6a: {  	v1 =	vld.idx.msk [tilespmem:v3+s3+$0x0], $0xffff;
	_ =	sdelay $0x3  }
0x6b: {  	s20 =	sor.u32 $0x30, s16  }
0x6c: {  	v3 =	vor.u32 s20, v0;
	v2 =	vshll.u32 v1, $0x2  }
0x6d: {  	v44 =	vand.u32 $0xFFFFC000, v1;
	v1 =	vshrl.u32 v1, $0xC;
	v2 =	vand.u32 $0x3FFC, v2  }
0x6e: {  	v1 =	vand.u32 $0x3, v1;
	v2 =	vor.u32 v44, v2  }
0x6f: {  	v1 =	vor.u32 v1, v2  }
0x70: {  	[tilespmem:$0x70B0] =	vst v1  }
0x71: {  	v1 =	vld.idx.msk [tilespmem:v3+s3+$0x0], $0xffff;
	_ =	sdelay $0x3  }
0x72: {  	s21 =	sor.u32 $0x34, s16  }
0x73: {  	v3 =	vor.u32 s21, v0;
	v2 =	vshll.u32 v1, $0x2  }
0x74: {  	v45 =	vand.u32 $0xFFFFC000, v1;
	v1 =	vshrl.u32 v1, $0xC;
	v2 =	vand.u32 $0x3FFC, v2  }
0x75: {  	v1 =	vand.u32 $0x3, v1;
	v2 =	vor.u32 v45, v2  }
0x76: {  	v1 =	vor.u32 v1, v2  }
0x77: {  	[tilespmem:$0x70C0] =	vst v1  }
0x78: {  	v1 =	vld.idx.msk [tilespmem:v3+s3+$0x0], $0xffff;
	_ =	sdelay $0x3  }
0x79: {  	s22 =	sor.u32 $0x38, s16  }
0x7a: {  	v3 =	vor.u32 s22, v0;
	v2 =	vshll.u32 v1, $0x2  }
0x7b: {  	v46 =	vand.u32 $0xFFFFC000, v1;
	v1 =	vshrl.u32 v1, $0xC;
	v2 =	vand.u32 $0x3FFC, v2  }
0x7c: {  	v1 =	vand.u32 $0x3, v1;
	v2 =	vor.u32 v46, v2  }
0x7d: {  	v1 =	vor.u32 v1, v2  }
0x7e: {  	[tilespmem:$0x70D0] =	vst v1  }
0x7f: {  	v1 =	vld.idx.msk [tilespmem:v3+s3+$0x0], $0xffff;
	_ =	sdelay $0x3  }
0x80: {  	s23 =	sor.u32 $0x3C, s16  }
0x81: {  	v3 =	vor.u32 s23, v0;
	v2 =	vshll.u32 v1, $0x2  }
0x82: {  	v47 =	vand.u32 $0xFFFFC000, v1;
	v1 =	vshrl.u32 v1, $0xC;
	v2 =	vand.u32 $0x3FFC, v2  }
0x83: {  	v1 =	vand.u32 $0x3, v1;
	v2 =	vor.u32 v47, v2  }
0x84: {  	v1 =	vor.u32 v1, v2  }
0x85: {  	[tilespmem:$0x70E0] =	vst v1  }
0x86: {  	v1 =	vld.idx.msk [tilespmem:v3+s3+$0x0], $0xffff;
	_ =	sdelay $0x3  }
0x87: {  	s24 =	sor.u32 $0x40, s16  }
0x88: {  	v3 =	vor.u32 s24, v0;
	v2 =	vshll.u32 v1, $0x2  }
0x89: {  	v48 =	vand.u32 $0xFFFFC000, v1;
	v1 =	vshrl.u32 v1, $0xC;
	v2 =	vand.u32 $0x3FFC, v2  }
0x8a: {  	v1 =	vand.u32 $0x3, v1;
	v2 =	vor.u32 v48, v2  }
0x8b: {  	v1 =	vor.u32 v1, v2  }
0x8c: {  	[tilespmem:$0x70F0] =	vst v1  }
0x8d: {  	v1 =	vld.idx.msk [tilespmem:v3+s3+$0x0], $0xffff;
	_ =	sdelay $0x3  }
0x8e: {  	s25 =	sor.u32 $0x44, s16  }
0x8f: {  	v3 =	vor.u32 s25, v0;
	v2 =	vshll.u32 v1, $0x2  }
0x90: {  	v49 =	vand.u32 $0xFFFFC000, v1;
	v1 =	vshrl.u32 v1, $0xC;
	v2 =	vand.u32 $0x3FFC, v2  }
0x91: {  	v1 =	vand.u32 $0x3, v1;
	v2 =	vor.u32 v49, v2  }
0x92: {  	v1 =	vor.u32 v1, v2  }
0x93: {  	[tilespmem:$0x7100] =	vst v1  }
0x94: {  	v1 =	vld.idx.msk [tilespmem:v3+s3+$0x0], $0xffff;
	_ =	sdelay $0x3  }
0x95: {  	s26 =	sor.u32 $0x48, s16  }
0x96: {  	v3 =	vor.u32 s26, v0;
	v2 =	vshll.u32 v1, $0x2  }
0x97: {  	v50 =	vand.u32 $0xFFFFC000, v1;
	v1 =	vshrl.u32 v1, $0xC;
	v2 =	vand.u32 $0x3FFC, v2  }
0x98: {  	v1 =	vand.u32 $0x3, v1;
	v2 =	vor.u32 v50, v2  }
0x99: {  	v1 =	vor.u32 v1, v2  }
0x9a: {  	[tilespmem:$0x7110] =	vst v1  }
0x9b: {  	v1 =	vld.idx.msk [tilespmem:v3+s3+$0x0], $0xffff;
	_ =	sdelay $0x3  }
0x9c: {  	s28 =	sor.u32 $0x4C, s16  }
0x9d: {  	v3 =	vor.u32 s28, v0;
	v2 =	vshll.u32 v1, $0x2  }
0x9e: {  	v51 =	vand.u32 $0xFFFFC000, v1;
	v1 =	vshrl.u32 v1, $0xC;
	v2 =	vand.u32 $0x3FFC, v2  }
0x9f: {  	v1 =	vand.u32 $0x3, v1;
	v2 =	vor.u32 v51, v2  }
0xa0: {  	v1 =	vor.u32 v1, v2  }
0xa1: {  	[tilespmem:$0x7120] =	vst v1  }
0xa2: {  	v1 =	vld.idx.msk [tilespmem:v3+s3+$0x0], $0xffff;
	_ =	sdelay $0x3  }
0xa3: {  	s29 =	sor.u32 $0x50, s16  }
0xa4: {  	v3 =	vor.u32 s29, v0;
	v2 =	vshll.u32 v1, $0x2  }
0xa5: {  	v52 =	vand.u32 $0xFFFFC000, v1;
	v1 =	vshrl.u32 v1, $0xC;
	v2 =	vand.u32 $0x3FFC, v2  }
0xa6: {  	v1 =	vand.u32 $0x3, v1;
	v2 =	vor.u32 v52, v2  }
0xa7: {  	v1 =	vor.u32 v1, v2  }
0xa8: {  	[tilespmem:$0x7130] =	vst v1  }
0xa9: {  	v1 =	vld.idx.msk [tilespmem:v3+s3+$0x0], $0xffff;
	_ =	sdelay $0x3  }
0xaa: {  	s30 =	sor.u32 $0x54, s16  }
0xab: {  	v3 =	vor.u32 s30, v0;
	v2 =	vshll.u32 v1, $0x2  }
0xac: {  	v53 =	vand.u32 $0xFFFFC000, v1;
	v1 =	vshrl.u32 v1, $0xC;
	v2 =	vand.u32 $0x3FFC, v2  }
0xad: {  	v1 =	vand.u32 $0x3, v1;
	v2 =	vor.u32 v53, v2  }
0xae: {  	v1 =	vor.u32 v1, v2  }
0xaf: {  	[tilespmem:$0x7140] =	vst v1  }
0xb0: {  	v1 =	vld.idx.msk [tilespmem:v3+s3+$0x0], $0xffff;
	_ =	sdelay $0x3  }
0xb1: {  	s31 =	sor.u32 $0x58, s16  }
0xb2: {  	v3 =	vor.u32 s31, v0;
	v2 =	vshll.u32 v1, $0x2  }
0xb3: {  	v54 =	vand.u32 $0xFFFFC000, v1;
	v1 =	vshrl.u32 v1, $0xC;
	v2 =	vand.u32 $0x3FFC, v2  }
0xb4: {  	v1 =	vand.u32 $0x3, v1;
	v2 =	vor.u32 v54, v2  }
0xb5: {  	v1 =	vor.u32 v1, v2  }
0xb6: {  	[tilespmem:$0x7150] =	vst v1  }
0xb7: {  	v1 =	vld.idx.msk [tilespmem:v3+s3+$0x0], $0xffff;
	_ =	sdelay $0x3  }
0xb8: {  	s18 =	sor.u32 $0x5C, s16  }
0xb9: {  	v3 =	vor.u32 s18, v0;
	v2 =	vshll.u32 v1, $0x2  }
0xba: {  	v55 =	vand.u32 $0xFFFFC000, v1;
	v1 =	vshrl.u32 v1, $0xC;
	v2 =	vand.u32 $0x3FFC, v2  }
0xbb: {  	v1 =	vand.u32 $0x3, v1;
	v2 =	vor.u32 v55, v2  }
0xbc: {  	v1 =	vor.u32 v1, v2  }
0xbd: {  	[tilespmem:$0x7160] =	vst v1  }
0xbe: {  	v1 =	vld.idx.msk [tilespmem:v3+s3+$0x0], $0xffff;
	_ =	sdelay $0x3  }
0xbf: {  	s19 =	sor.u32 $0x60, s16  }
0xc0: {  	v3 =	vor.u32 s19, v0;
	v2 =	vshll.u32 v1, $0x2  }
0xc1: {  	v56 =	vand.u32 $0xFFFFC000, v1;
	v1 =	vshrl.u32 v1, $0xC;
	v2 =	vand.u32 $0x3FFC, v2  }
0xc2: {  	v1 =	vand.u32 $0x3, v1;
	v2 =	vor.u32 v56, v2  }
0xc3: {  	v1 =	vor.u32 v1, v2  }
0xc4: {  	[tilespmem:$0x7170] =	vst v1  }
0xc5: {  	v1 =	vld.idx.msk [tilespmem:v3+s3+$0x0], $0xffff;
	_ =	sdelay $0x3  }
0xc6: {  	s20 =	sor.u32 $0x64, s16  }
0xc7: {  	v3 =	vor.u32 s20, v0;
	v2 =	vshll.u32 v1, $0x2  }
0xc8: {  	v57 =	vand.u32 $0xFFFFC000, v1;
	v1 =	vshrl.u32 v1, $0xC;
	v2 =	vand.u32 $0x3FFC, v2  }
0xc9: {  	v1 =	vand.u32 $0x3, v1;
	v2 =	vor.u32 v57, v2  }
0xca: {  	v1 =	vor.u32 v1, v2  }
0xcb: {  	[tilespmem:$0x7180] =	vst v1  }
0xcc: {  	v1 =	vld.idx.msk [tilespmem:v3+s3+$0x0], $0xffff;
	_ =	sdelay $0x3  }
0xcd: {  	s21 =	sor.u32 $0x68, s16  }
0xce: {  	v3 =	vor.u32 s21, v0;
	v2 =	vshll.u32 v1, $0x2  }
0xcf: {  	v58 =	vand.u32 $0xFFFFC000, v1;
	v1 =	vshrl.u32 v1, $0xC;
	v2 =	vand.u32 $0x3FFC, v2  }
0xd0: {  	v1 =	vand.u32 $0x3, v1;
	v2 =	vor.u32 v58, v2  }
0xd1: {  	v1 =	vor.u32 v1, v2  }
0xd2: {  	[tilespmem:$0x7190] =	vst v1  }
0xd3: {  	v1 =	vld.idx.msk [tilespmem:v3+s3+$0x0], $0xffff;
	_ =	sdelay $0x3  }
0xd4: {  	s22 =	sor.u32 $0x6C, s16  }
0xd5: {  	v3 =	vor.u32 s22, v0;
	v2 =	vshll.u32 v1, $0x2  }
0xd6: {  	v59 =	vand.u32 $0xFFFFC000, v1;
	v1 =	vshrl.u32 v1, $0xC;
	v2 =	vand.u32 $0x3FFC, v2  }
0xd7: {  	v1 =	vand.u32 $0x3, v1;
	v2 =	vor.u32 v59, v2  }
0xd8: {  	v1 =	vor.u32 v1, v2  }
0xd9: {  	[tilespmem:$0x71A0] =	vst v1  }
0xda: {  	v1 =	vld.idx.msk [tilespmem:v3+s3+$0x0], $0xffff;
	_ =	sdelay $0x3  }
0xdb: {  	s23 =	sor.u32 $0x70, s16  }
0xdc: {  	v3 =	vor.u32 s23, v0;
	v2 =	vshll.u32 v1, $0x2  }
0xdd: {  	v60 =	vand.u32 $0xFFFFC000, v1;
	v1 =	vshrl.u32 v1, $0xC;
	v2 =	vand.u32 $0x3FFC, v2  }
0xde: {  	v1 =	vand.u32 $0x3, v1;
	v2 =	vor.u32 v60, v2  }
0xdf: {  	v1 =	vor.u32 v1, v2  }
0xe0: {  	[tilespmem:$0x71B0] =	vst v1  }
0xe1: {  	v1 =	vld.idx.msk [tilespmem:v3+s3+$0x0], $0xffff;
	_ =	sdelay $0x3  }
0xe2: {  	s24 =	sor.u32 $0x74, s16  }
0xe3: {  	v3 =	vor.u32 s24, v0;
	v2 =	vshll.u32 v1, $0x2  }
0xe4: {  	v61 =	vand.u32 $0xFFFFC000, v1;
	v1 =	vshrl.u32 v1, $0xC;
	v2 =	vand.u32 $0x3FFC, v2  }
0xe5: {  	v1 =	vand.u32 $0x3, v1;
	v2 =	vor.u32 v61, v2  }
0xe6: {  	v1 =	vor.u32 v1, v2  }
0xe7: {  	[tilespmem:$0x71C0] =	vst v1  }
0xe8: {  	v1 =	vld.idx.msk [tilespmem:v3+s3+$0x0], $0xffff;
	_ =	sdelay $0x3  }
0xe9: {  	s25 =	sor.u32 $0x78, s16  }
0xea: {  	v3 =	vor.u32 s25, v0;
	v2 =	vshll.u32 v1, $0x2  }
0xeb: {  	v62 =	vand.u32 $0xFFFFC000, v1;
	v1 =	vshrl.u32 v1, $0xC;
	v2 =	vand.u32 $0x3FFC, v2  }
0xec: {  	v1 =	vand.u32 $0x3, v1;
	v2 =	vor.u32 v62, v2  }
0xed: {  	v1 =	vor.u32 v1, v2  }
0xee: {  	[tilespmem:$0x71D0] =	vst v1  }
0xef: {  	v1 =	vld.idx.msk [tilespmem:v3+s3+$0x0], $0xffff;
	_ =	sdelay $0x3  }
0xf0: {  	s16 =	sor.u32 $0x7C, s16  }
0xf1: {  	v3 =	vor.u32 s16, v0;
	v2 =	vshll.u32 v1, $0x2  }
0xf2: {  	v63 =	vand.u32 $0xFFFFC000, v1;
	v1 =	vshrl.u32 v1, $0xC;
	v2 =	vand.u32 $0x3FFC, v2  }
0xf3: {  	v1 =	vand.u32 $0x3, v1;
	v2 =	vor.u32 v63, v2  }
0xf4: {  	v1 =	vor.u32 v1, v2  }
0xf5: {  	[tilespmem:$0x71E0] =	vst v1  }
0xf6: {  	v1 =	vld.idx.msk [tilespmem:v3+s3+$0x0], $0xffff;
	_ =	sdelay $0x4  }
0xf7: {  	v2 =	vshll.u32 v1, $0x2  }
0xf8: {  	s26 =	rddreg [dreg:$0x4];
	v3 =	vand.u32 $0xFFFFC000, v1;
	v1 =	vshrl.u32 v1, $0xC;
	v2 =	vand.u32 $0x3FFC, v2  }
0xf9: {  	s28 =	rddreg [dreg:$0x5];
	v1 =	vand.u32 $0x3, v1;
	v2 =	vor.u32 v3, v2  }
0xfa: {  	s29 =	rddreg [dreg:$0x7];
	v1 =	vor.u32 v1, v2  }
0xfb: {  	s30 =	rddreg [dreg:$0x8];
	[tilespmem:$0x71F0] =	vst v1  }
0xfc: {  	[tilespmem:s10], [sflag:$0x1] =	stream.indirect.gather [hbm4b:s2+s9], $0x20, s26, s9, $0xb8;
	[tilespmem:$0xB200] =	vst v63  }
0xfd: {  	s18 =	rddreg [dreg:$0x6]  }
0xfe: {  	[tilespmem:s28], [sflag:$0x1] =	stream.indirect.gather [hbm4b:s2+s9], $0x20, s18, s9, $0xb8;
	[tilespmem:$0xB200] =	vst v63  }
0xff: {  	s31 =	rddreg [dreg:$0x9]  }
0x100: {  	[tilespmem:s29], [sflag:$0x1] =	stream.indirect.gather [hbm4b:s2+s9], $0x20, s30, s9, $0xb8;
	[tilespmem:$0xB200] =	vst v63  }
0x101: {  	s19 =	rddreg [dreg:$0xa]  }
0x102: {  	[tilespmem:s31], [sflag:$0x1] =	stream.indirect.gather [hbm4b:s2+s9], $0x20, s19, s9, $0xb8;
	[tilespmem:$0xB200] =	vst v63  }
0x103: {  	_ =	swait.ge [sflag:s11], $0x1000  }
0x104: {  	[sflag:s11] =	ssyncset.done $0x0  }
0x105: {  	[sflag:s11] =	ssyncadd.s32 $0xFFFFF000  }
0x106: {  	_ =	swait.ge [sflag:s11], $0x1000  }
0x107: {  	[sflag:s11] =	ssyncset.done $0x0  }
0x108: {  	[sflag:s11] =	ssyncadd.s32 $0xFFFFF000  }
0x109: {  	_ =	swait.ge [sflag:s11], $0x1000  }
0x10a: {  	[sflag:s11] =	ssyncset.done $0x0  }
0x10b: {  	[sflag:s11] =	ssyncadd.s32 $0xFFFFF000  }
0x10c: {  	_ =	swait.ge [sflag:s11], $0x1000  }
0x10d: {  	p0 =	sne.s32 s15, $0x1880;
	[sflag:s11] =	ssyncset.done $0x0  }
.Ltmp0:
0x10e: {  	[sflag:s11] =	ssyncadd.s32 $0xFFFFF000;
	(pc) =	sbr.rel @p0 .LBB2_2-.Ltmp0, $4  }
0x10f: {  	[hbm4b:s13+s3] =	stream.linear.scatter [tilespmem:s10], [sflag:$0x2], $0x4000, $0x38;
	[tilespmem:$0xB200] =	vst v63  }
0x110: {  	_ =	swait.ge [sflag:s8], $0x4000  }
0x111: {  	s14 =	sadd.s32 $0x200, s14;
	[sflag:s8] =	ssyncset.done $0x0  }
0x112: {  	s15 =	sadd.s32 $0x80, s15;
	s13 =	sadd.s32 $0x800, s13;
	[sflag:s8] =	ssyncadd.s32 $0xFFFFC000  }
0x113: {  	s12 =	sadd.s32 $0x1, s12  }
0x114: {  	p0 =	sne.s32 s12, s5  }
.Ltmp1:
0x115: {  	_ = 	snop;
	(pc) =	sbr.rel @p0 .LBB2_1-.Ltmp1, $1  }
0x116: {  	_ =	sdelay $0x3  }
0x117: {  	_ =	sfence.sel $0x180000  }
0x118: {  	[bflag:$0x0] =	sbarrier.arrive $0xFFFF  }
0x119: {  	p0 =	sne.s32 s0, $0x0;
	_ =	strace $0x90000047  }
0x11a: {  	s0 =	sadd.s32 @!p0 $0x100000, s1;
	[bflag:$0x2] =	sbarrier.arrive $0xFFFF  }
0x11b: {  	[sflag:s0] =	ssyncadd.tile.s32 @!p0 $0x1;
	_ =	shalt  }
.Lfunc_end2:
_tile_overlayer_lowered:
.L_overlay_start_2:
0x11c: {  	(tag) =	ssettag $0x2  }
0x11d: {  	s0 =	rddreg [dreg:$0x0];
	s2 =	stileid.u32  }
0x11e: {  	s1 =	rddreg [dreg:$0x1];
	p0 =	sne.s32 s2, $0x0  }
0x11f: {  	s3 =	rddreg [dreg:$0x2];
	[bflag:$0x3] =	sbarrier.arrive $0xFFFF;
	s2 =	simm.s32 @!p0 $0x1C02  }
0x120: {  	[timem:s3], [sflag:s2] =	dma.local @!p0 [hbm:s0], s1  }
0x121: {  	s0 =	simm.s32 @!p0 $0x2  }
0x122: {  	_ =	swait.ge @!p0 [sflag:s0], s1  }
0x123: {  	s1 =	ssub.s32 @!p0 $0x0, s1;
	[sflag:s0] =	ssyncset.done @!p0 $0x0  }
0x124: {  	[sflag:s0] =	ssyncadd.s32 @!p0 s1  }
0x125: {  	[bflag:$0x3] =	sbarrier.arrive $0xFFFF  }
0x126: {  	_ =	shalt  }

</sc_bundles>
